<compile_context>
chip_gen: v7x
topology: tpu7x:2x2x1
jax: 0.10.2.dev20260603
libtpu: 0.0.44.dev20260713+nightly
codegen_flags: <defaults>
</compile_context>

<pallas_src>
import functools

import jax
import jax.numpy as jnp
from jax import lax
from jax.experimental import pallas as pl
from jax.experimental.pallas import tpu as pltpu
from jax.experimental.pallas import tpu_sc as plsc

N = 10000
E = 320000
D = 128
DH = D // 2
NC = 2
NS = 16
K = 128
CH = 160
EPW = CH * K
PAD = NS * EPW - E
NP = 10112
RPT = NP // NS

_mesh = plsc.VectorSubcoreMesh(core_axis_name="c", subcore_axis_name="s")


@functools.partial(
    pl.kernel,
    out_type=(
        jax.ShapeDtypeStruct((NC, NP, DH), jnp.float32),
        jax.ShapeDtypeStruct((NC, NP, 16), jnp.float32),
    ),
    mesh=_mesh,
    compiler_params=pltpu.CompilerParams(use_tc_tiling_on_sc=False),
    scratch_types=[
        pltpu.VMEM((CH, K), jnp.int32),
        pltpu.VMEM((CH, K), jnp.int32),
        [pltpu.VMEM((K, DH), jnp.float32)] * 4,
        pltpu.VMEM((K, 16), jnp.float32),
        pltpu.VMEM_SHARED((NP, DH), jnp.float32),
        pltpu.VMEM_SHARED((NP, 16), jnp.float32),
        [pltpu.SemaphoreType.DMA] * 4,
    ],
)
def _sc_gather_sum(xl_hbm, xr_hbm, src_hbm, dst_hbm, zn_hbm, zd_hbm, ones_hbm,
                   neigh_out, deg_out,
                   src_v, dst_v, bufs, ones_v, sneigh, sdeg, sems):
    c = lax.axis_index("c")
    s = lax.axis_index("s")

    r0 = s * RPT
    pltpu.sync_copy(zn_hbm, sneigh.at[pl.ds(r0, RPT)])
    pltpu.sync_copy(zd_hbm, sdeg.at[pl.ds(r0, RPT)])
    pltpu.sync_copy(ones_hbm, ones_v)
    pltpu.sync_copy(dst_hbm.at[s], dst_v)
    pltpu.sync_copy(src_hbm.at[s], src_v)

    plsc.subcore_barrier()

    NB = 4
    GRP = CH // NB

    def do_chunks(x_hbm):
        for b in range(NB):
            pltpu.async_copy(x_hbm.at[src_v.at[b]], bufs[b], sems[b])

        def process(k, prefetch):
            for b in range(NB):
                j = k * NB + b
                pltpu.make_async_copy(x_hbm.at[src_v.at[j]], bufs[b], sems[b]).wait()
                pltpu.sync_copy(bufs[b], sneigh.at[dst_v.at[j]], add=True)
                pltpu.sync_copy(ones_v, sdeg.at[dst_v.at[j]], add=True)
                if prefetch:
                    pltpu.async_copy(x_hbm.at[src_v.at[j + NB]], bufs[b], sems[b])

        def group(k, carry):
            process(k, True)
            return carry

        lax.fori_loop(0, GRP - 1, group, 0)
        process(GRP - 1, False)

    @pl.when(c == 0)
    def _():
        do_chunks(xl_hbm)

    @pl.when(c == 1)
    def _():
        do_chunks(xr_hbm)

    plsc.subcore_barrier()

    pltpu.sync_copy(sneigh.at[pl.ds(r0, RPT)], neigh_out.at[c].at[pl.ds(r0, RPT)])
    pltpu.sync_copy(sdeg.at[pl.ds(r0, RPT)], deg_out.at[c].at[pl.ds(r0, RPT)])


_R = 2000


def _tc_body(x_ref, p0_ref, p1_ref, d0_ref, w1_ref, w2_ref, o_ref):
    deg = jnp.maximum(d0_ref[:, 0:1], 1.0)
    neigh = jnp.concatenate([p0_ref[...], p1_ref[...]], axis=1) / deg
    dn = (((1,), (1,)), ((), ()))
    o_ref[...] = (
        lax.dot_general(neigh, w1_ref[...], dn, preferred_element_type=jnp.float32)
        + lax.dot_general(x_ref[...], w2_ref[...], dn, preferred_element_type=jnp.float32)
    )


_tc_final = pl.pallas_call(
    _tc_body,
    grid=(N // _R,),
    in_specs=[
        pl.BlockSpec((_R, D), lambda i: (i, 0)),
        pl.BlockSpec((_R, DH), lambda i: (i, 0)),
        pl.BlockSpec((_R, DH), lambda i: (i, 0)),
        pl.BlockSpec((_R, 16), lambda i: (i, 0)),
        pl.BlockSpec((D, D), lambda i: (0, 0)),
        pl.BlockSpec((D, D), lambda i: (0, 0)),
    ],
    out_specs=pl.BlockSpec((_R, D), lambda i: (i, 0)),
    out_shape=jax.ShapeDtypeStruct((N, D), jnp.float32),
)


def kernel(x, edge_index, l, W1, W2):
    src = edge_index[0]
    dst = edge_index[1]
    xl = x[:, :DH]
    xr = x[:, DH:]
    src_p = jnp.concatenate([src, jnp.zeros((PAD,), jnp.int32)]).reshape(NS, CH, K)
    dst_p = jnp.concatenate([dst, jnp.full((PAD,), N, jnp.int32)]).reshape(NS, CH, K)
    zn = jnp.zeros((RPT, DH), jnp.float32)
    zd = jnp.zeros((RPT, 16), jnp.float32)
    ones = jnp.ones((K, 16), jnp.float32)
    neigh2, deg2 = _sc_gather_sum(xl, xr, src_p, dst_p, zn, zd, ones)
    return _tc_final(x, neigh2[0, :N], neigh2[1, :N], deg2[0, :N], W1, W2)

# --- scband reference (transcript-rebuilt; emitter-appended) ---
"""Pipeline reference for scband-dist-sage-conv-76209899700290 (READ-ONLY COPY).

The authoritative reference and input builder live on the scoring server;
editing this copy changes nothing except your own understanding.
"""

import jax, jax.numpy as jnp
import numpy as np

N_NODES = 10000
N_EDGES = 320000
D_IN = 128
D_OUT = 128


def _xavier_uniform(key, shape, gain):
    fan_out, fan_in = shape
    bound = gain * np.sqrt(6.0 / (fan_in + fan_out))
    return jax.random.uniform(key, shape, dtype=jnp.float32, minval=-bound, maxval=bound)


def setup_inputs(seed: int = 0) -> dict:
    key = jax.random.key(seed)
    k1, k2, k3, k4 = jax.random.split(key, 4)
    x = jax.random.normal(k1, (N_NODES, D_IN), dtype=jnp.float32)
    edge_index = jax.random.randint(k2, (2, N_EDGES), 0, N_NODES, dtype=jnp.int32)
    gain = np.sqrt(2.0)  # calculate_gain('relu')
    W1 = _xavier_uniform(k3, (D_OUT, D_IN), gain)  # fc1.weight (neighbor path)
    W2 = _xavier_uniform(k4, (D_OUT, D_IN), gain)  # fc2.weight (self path)
    return {"x": x, "edge_index": edge_index, "l": 0, "W1": W1, "W2": W2}


def reference(x, edge_index, l, W1, W2):
    # DistSageConv.forward, single-shard faithful translation:
    #   bipartite_graph.gather(x)  -> scatter-add of src features onto dst nodes
    #   Shuffle.apply(...)         -> cross-GPU exchange; identity on one shard
    #   slice_owned_nodes(...)     -> identity on one shard (all nodes owned)
    #   out6 = fc1(gathered / in_degree)
    #   out5 = fc2(self_gather(x)) = fc2(x)
    #   final = out5 + out6
    src = edge_index[0]
    dst = edge_index[1]
    neigh = jax.ops.segment_sum(x[src], dst, num_segments=N_NODES)
    in_degree = jax.ops.segment_sum(jnp.ones((N_EDGES,), dtype=jnp.float32), dst,
                                    num_segments=N_NODES)
    in_degree = jnp.clip(in_degree, 1.0)[:, None]
    out6 = (neigh / in_degree) @ W1.T  # fc1 (nn.Linear, no bias)
    out5 = x @ W2.T                    # fc2 (nn.Linear, no bias)
    final = out5 + out6
    return final

if __name__ == "__main__":
    import jax
    _d = setup_inputs()
    print(jax.jit(kernel)(*tuple(_d.values())))

</pallas_src>

<mosaic_0001>
#map = affine_map<(d0, d1) -> (0, 0)>
#map1 = affine_map<(d0, d1) -> (0, 0, 0)>
module attributes {stable_mosaic.version = 14 : i64} {
  func.func @_sc_gather_sum(%arg0: i32, %arg1: i32, %arg2: memref<10000x64xf32, #tpu.memory_space<hbm>>, %arg3: memref<10000x64xf32, #tpu.memory_space<hbm>>, %arg4: memref<16x160x128xi32, #tpu.memory_space<hbm>>, %arg5: memref<16x160x128xi32, #tpu.memory_space<hbm>>, %arg6: memref<632x64xf32, #tpu.memory_space<hbm>>, %arg7: memref<632x16xf32, #tpu.memory_space<hbm>>, %arg8: memref<128x16xf32, #tpu.memory_space<hbm>>, %arg9: memref<2x10112x64xf32, #tpu.memory_space<hbm>>, %arg10: memref<2x10112x16xf32, #tpu.memory_space<hbm>>, %arg11: memref<160x128xi32, #tpu.memory_space<vmem>>, %arg12: memref<160x128xi32, #tpu.memory_space<vmem>>, %arg13: memref<128x64xf32, #tpu.memory_space<vmem>>, %arg14: memref<128x64xf32, #tpu.memory_space<vmem>>, %arg15: memref<128x64xf32, #tpu.memory_space<vmem>>, %arg16: memref<128x64xf32, #tpu.memory_space<vmem>>, %arg17: memref<128x16xf32, #tpu.memory_space<vmem>>, %arg18: memref<10112x64xf32, #tpu.memory_space<vmem_shared>>, %arg19: memref<10112x16xf32, #tpu.memory_space<vmem_shared>>, %arg20: memref<!tpu.dma_semaphore, #tpu.memory_space<semaphore_mem>>, %arg21: memref<!tpu.dma_semaphore, #tpu.memory_space<semaphore_mem>>, %arg22: memref<!tpu.dma_semaphore, #tpu.memory_space<semaphore_mem>>, %arg23: memref<!tpu.dma_semaphore, #tpu.memory_space<semaphore_mem>>) attributes {dimension_semantics = [#tpu.dimension_semantics<core_parallel>, #tpu.dimension_semantics<subcore_parallel>], iteration_bounds = array<i64: 2, 16>, scalar_prefetch = 0 : i64, scratch_operands = 13 : i64, tpu.core_type = #tpu.core_type<sc_vector_subcore>, window_params = [{transform_indices = #map}, {transform_indices = #map}, {transform_indices = #map1}, {transform_indices = #map1}, {transform_indices = #map}, {transform_indices = #map}, {transform_indices = #map}, {transform_indices = #map1}, {transform_indices = #map1}]} {
    %mul3A = arith.constant 632 : i32
    %mul3A_0 = arith.muli %arg1, %mul3A : i32
    "tpu.region"() ({
      %run_scoped3A = tpu.sem_alloc : memref<!tpu.dma_semaphore, #tpu.memory_space<semaphore_mem>>
      %dma_start3A = arith.constant 0 : i32
      %dma_start3A_9 = tpu.memref_slice %arg18[%mul3A_0, %dma_start3A] : memref<10112x64xf32, #tpu.memory_space<vmem_shared>> -> memref<632x64xf32, #tpu.memory_space<vmem_shared>>
      tpu.enqueue_dma source(%arg6 : memref<632x64xf32, #tpu.memory_space<hbm>>) target(%dma_start3A_9 : memref<632x64xf32, #tpu.memory_space<vmem_shared>>) target_semaphore(%run_scoped3A : memref<!tpu.dma_semaphore, #tpu.memory_space<semaphore_mem>>)
      %dma_wait3A = arith.constant 0 : i32
      %dma_wait3A_10 = tpu.memref_slice %arg18[%mul3A_0, %dma_wait3A] : memref<10112x64xf32, #tpu.memory_space<vmem_shared>> -> memref<632x64xf32, #tpu.memory_space<vmem_shared>>
      tpu.wait_dma2 semaphore(%run_scoped3A : memref<!tpu.dma_semaphore, #tpu.memory_space<semaphore_mem>>) src(%arg6 : memref<632x64xf32, #tpu.memory_space<hbm>>) dst(%dma_wait3A_10 : memref<632x64xf32, #tpu.memory_space<vmem_shared>>)
      tpu.yield
    }) : () -> ()
    "tpu.region"() ({
      %run_scoped3A = tpu.sem_alloc : memref<!tpu.dma_semaphore, #tpu.memory_space<semaphore_mem>>
      %dma_start3A = arith.constant 0 : i32
      %dma_start3A_9 = tpu.memref_slice %arg19[%mul3A_0, %dma_start3A] : memref<10112x16xf32, #tpu.memory_space<vmem_shared>> -> memref<632x16xf32, #tpu.memory_space<vmem_shared>>
      tpu.enqueue_dma source(%arg7 : memref<632x16xf32, #tpu.memory_space<hbm>>) target(%dma_start3A_9 : memref<632x16xf32, #tpu.memory_space<vmem_shared>>) target_semaphore(%run_scoped3A : memref<!tpu.dma_semaphore, #tpu.memory_space<semaphore_mem>>)
      %dma_wait3A = arith.constant 0 : i32
      %dma_wait3A_10 = tpu.memref_slice %arg19[%mul3A_0, %dma_wait3A] : memref<10112x16xf32, #tpu.memory_space<vmem_shared>> -> memref<632x16xf32, #tpu.memory_space<vmem_shared>>
      tpu.wait_dma2 semaphore(%run_scoped3A : memref<!tpu.dma_semaphore, #tpu.memory_space<semaphore_mem>>) src(%arg7 : memref<632x16xf32, #tpu.memory_space<hbm>>) dst(%dma_wait3A_10 : memref<632x16xf32, #tpu.memory_space<vmem_shared>>)
      tpu.yield
    }) : () -> ()
    "tpu.region"() ({
      %run_scoped3A = tpu.sem_alloc : memref<!tpu.dma_semaphore, #tpu.memory_space<semaphore_mem>>
      tpu.enqueue_dma source(%arg8 : memref<128x16xf32, #tpu.memory_space<hbm>>) target(%arg17 : memref<128x16xf32, #tpu.memory_space<vmem>>) target_semaphore(%run_scoped3A : memref<!tpu.dma_semaphore, #tpu.memory_space<semaphore_mem>>)
      tpu.wait_dma2 semaphore(%run_scoped3A : memref<!tpu.dma_semaphore, #tpu.memory_space<semaphore_mem>>) src(%arg8 : memref<128x16xf32, #tpu.memory_space<hbm>>) dst(%arg17 : memref<128x16xf32, #tpu.memory_space<vmem>>)
      tpu.yield
    }) : () -> ()
    "tpu.region"() ({
      %run_scoped3A = tpu.sem_alloc : memref<!tpu.dma_semaphore, #tpu.memory_space<semaphore_mem>>
      %dma_start3A = arith.constant 0 : i32
      %dma_start3A_9 = arith.constant 0 : i32
      %dma_start3A_10 = tpu.memref_slice %arg5[%arg1, %dma_start3A, %dma_start3A_9] : memref<16x160x128xi32, #tpu.memory_space<hbm>> -> memref<1x160x128xi32, #tpu.memory_space<hbm>>
      %dma_start3A_11 = tpu.memref_squeeze %dma_start3A_10 : memref<1x160x128xi32, #tpu.memory_space<hbm>> -> memref<160x128xi32, #tpu.memory_space<hbm>>
      %dma_start3A_12 = arith.constant 0 : i32
      %dma_start3A_13 = arith.constant 0 : i32
      %dma_start3A_14 = tpu.memref_slice %arg5[%arg1, %dma_start3A_12, %dma_start3A_13] : memref<16x160x128xi32, #tpu.memory_space<hbm>> -> memref<1x160x128xi32, #tpu.memory_space<hbm>>
      %dma_start3A_15 = tpu.memref_squeeze %dma_start3A_14 : memref<1x160x128xi32, #tpu.memory_space<hbm>> -> memref<160x128xi32, #tpu.memory_space<hbm>>
      tpu.enqueue_dma source(%dma_start3A_15 : memref<160x128xi32, #tpu.memory_space<hbm>>) target(%arg12 : memref<160x128xi32, #tpu.memory_space<vmem>>) target_semaphore(%run_scoped3A : memref<!tpu.dma_semaphore, #tpu.memory_space<semaphore_mem>>)
      %dma_wait3A = arith.constant 0 : i32
      %dma_wait3A_16 = arith.constant 0 : i32
      %dma_wait3A_17 = tpu.memref_slice %arg5[%arg1, %dma_wait3A, %dma_wait3A_16] : memref<16x160x128xi32, #tpu.memory_space<hbm>> -> memref<1x160x128xi32, #tpu.memory_space<hbm>>
      %dma_wait3A_18 = tpu.memref_squeeze %dma_wait3A_17 : memref<1x160x128xi32, #tpu.memory_space<hbm>> -> memref<160x128xi32, #tpu.memory_space<hbm>>
      %dma_wait3A_19 = arith.constant 0 : i32
      %dma_wait3A_20 = arith.constant 0 : i32
      %dma_wait3A_21 = tpu.memref_slice %arg5[%arg1, %dma_wait3A_19, %dma_wait3A_20] : memref<16x160x128xi32, #tpu.memory_space<hbm>> -> memref<1x160x128xi32, #tpu.memory_space<hbm>>
      %dma_wait3A_22 = tpu.memref_squeeze %dma_wait3A_21 : memref<1x160x128xi32, #tpu.memory_space<hbm>> -> memref<160x128xi32, #tpu.memory_space<hbm>>
      tpu.wait_dma2 semaphore(%run_scoped3A : memref<!tpu.dma_semaphore, #tpu.memory_space<semaphore_mem>>) src(%dma_wait3A_22 : memref<160x128xi32, #tpu.memory_space<hbm>>) dst(%arg12 : memref<160x128xi32, #tpu.memory_space<vmem>>)
      tpu.yield
    }) : () -> ()
    "tpu.region"() ({
      %run_scoped3A = tpu.sem_alloc : memref<!tpu.dma_semaphore, #tpu.memory_space<semaphore_mem>>
      %dma_start3A = arith.constant 0 : i32
      %dma_start3A_9 = arith.constant 0 : i32
      %dma_start3A_10 = tpu.memref_slice %arg4[%arg1, %dma_start3A, %dma_start3A_9] : memref<16x160x128xi32, #tpu.memory_space<hbm>> -> memref<1x160x128xi32, #tpu.memory_space<hbm>>
      %dma_start3A_11 = tpu.memref_squeeze %dma_start3A_10 : memref<1x160x128xi32, #tpu.memory_space<hbm>> -> memref<160x128xi32, #tpu.memory_space<hbm>>
      %dma_start3A_12 = arith.constant 0 : i32
      %dma_start3A_13 = arith.constant 0 : i32
      %dma_start3A_14 = tpu.memref_slice %arg4[%arg1, %dma_start3A_12, %dma_start3A_13] : memref<16x160x128xi32, #tpu.memory_space<hbm>> -> memref<1x160x128xi32, #tpu.memory_space<hbm>>
      %dma_start3A_15 = tpu.memref_squeeze %dma_start3A_14 : memref<1x160x128xi32, #tpu.memory_space<hbm>> -> memref<160x128xi32, #tpu.memory_space<hbm>>
      tpu.enqueue_dma source(%dma_start3A_15 : memref<160x128xi32, #tpu.memory_space<hbm>>) target(%arg11 : memref<160x128xi32, #tpu.memory_space<vmem>>) target_semaphore(%run_scoped3A : memref<!tpu.dma_semaphore, #tpu.memory_space<semaphore_mem>>)
      %dma_wait3A = arith.constant 0 : i32
      %dma_wait3A_16 = arith.constant 0 : i32
      %dma_wait3A_17 = tpu.memref_slice %arg4[%arg1, %dma_wait3A, %dma_wait3A_16] : memref<16x160x128xi32, #tpu.memory_space<hbm>> -> memref<1x160x128xi32, #tpu.memory_space<hbm>>
      %dma_wait3A_18 = tpu.memref_squeeze %dma_wait3A_17 : memref<1x160x128xi32, #tpu.memory_space<hbm>> -> memref<160x128xi32, #tpu.memory_space<hbm>>
      %dma_wait3A_19 = arith.constant 0 : i32
      %dma_wait3A_20 = arith.constant 0 : i32
      %dma_wait3A_21 = tpu.memref_slice %arg4[%arg1, %dma_wait3A_19, %dma_wait3A_20] : memref<16x160x128xi32, #tpu.memory_space<hbm>> -> memref<1x160x128xi32, #tpu.memory_space<hbm>>
      %dma_wait3A_22 = tpu.memref_squeeze %dma_wait3A_21 : memref<1x160x128xi32, #tpu.memory_space<hbm>> -> memref<160x128xi32, #tpu.memory_space<hbm>>
      tpu.wait_dma2 semaphore(%run_scoped3A : memref<!tpu.dma_semaphore, #tpu.memory_space<semaphore_mem>>) src(%dma_wait3A_22 : memref<160x128xi32, #tpu.memory_space<hbm>>) dst(%arg11 : memref<160x128xi32, #tpu.memory_space<vmem>>)
      tpu.yield
    }) : () -> ()
    %barrier3A = arith.constant 0 : index
    tpu.barrier barrier_id(%barrier3A)
    %eq3A = arith.constant 0 : i32
    %eq3A_1 = arith.cmpi eq, %arg0, %eq3A : i32
    %convert_element_type3A = arith.extui %eq3A_1 : i1 to i32
    %cond3A = arith.constant 0 : i32
    %cond3A_2 = arith.cmpi ne, %convert_element_type3A, %cond3A : i32
    scf.if %cond3A_2 {
      %dma_start3A = arith.constant 0 : i32
      %dma_start3A_9 = arith.constant 0 : i32
      %dma_start3A_10 = tpu.memref_slice %arg11[%dma_start3A, %dma_start3A_9] : memref<160x128xi32, #tpu.memory_space<vmem>> -> memref<1x128xi32, #tpu.memory_space<vmem>>
      %dma_start3A_11 = tpu.memref_squeeze %dma_start3A_10 : memref<1x128xi32, #tpu.memory_space<vmem>> -> memref<128xi32, #tpu.memory_space<vmem>>
      %dma_start3A_12 = arith.constant 0 : i32
      %dma_start3A_13 = arith.constant 0 : i32
      %dma_start3A_14 = tpu.memref_slice %arg2[%dma_start3A_12, %dma_start3A_13] : memref<10000x64xf32, #tpu.memory_space<hbm>> -> memref<10000x64xf32, #tpu.memory_space<hbm>>
      tpu.enqueue_indirect_dma source(%dma_start3A_14 : memref<10000x64xf32, #tpu.memory_space<hbm>>) target(%arg13 : memref<128x64xf32, #tpu.memory_space<vmem>>) offsets(%dma_start3A_11 : memref<128xi32, #tpu.memory_space<vmem>>) semaphore(%arg20 : memref<!tpu.dma_semaphore, #tpu.memory_space<semaphore_mem>>)
      %dma_start3A_15 = arith.constant 1 : i32
      %dma_start3A_16 = arith.constant 0 : i32
      %dma_start3A_17 = tpu.memref_slice %arg11[%dma_start3A_15, %dma_start3A_16] : memref<160x128xi32, #tpu.memory_space<vmem>> -> memref<1x128xi32, #tpu.memory_space<vmem>>
      %dma_start3A_18 = tpu.memref_squeeze %dma_start3A_17 : memref<1x128xi32, #tpu.memory_space<vmem>> -> memref<128xi32, #tpu.memory_space<vmem>>
      %dma_start3A_19 = arith.constant 0 : i32
      %dma_start3A_20 = arith.constant 0 : i32
      %dma_start3A_21 = tpu.memref_slice %arg2[%dma_start3A_19, %dma_start3A_20] : memref<10000x64xf32, #tpu.memory_space<hbm>> -> memref<10000x64xf32, #tpu.memory_space<hbm>>
      tpu.enqueue_indirect_dma source(%dma_start3A_21 : memref<10000x64xf32, #tpu.memory_space<hbm>>) target(%arg14 : memref<128x64xf32, #tpu.memory_space<vmem>>) offsets(%dma_start3A_18 : memref<128xi32, #tpu.memory_space<vmem>>) semaphore(%arg21 : memref<!tpu.dma_semaphore, #tpu.memory_space<semaphore_mem>>)
      %dma_start3A_22 = arith.constant 2 : i32
      %dma_start3A_23 = arith.constant 0 : i32
      %dma_start3A_24 = tpu.memref_slice %arg11[%dma_start3A_22, %dma_start3A_23] : memref<160x128xi32, #tpu.memory_space<vmem>> -> memref<1x128xi32, #tpu.memory_space<vmem>>
      %dma_start3A_25 = tpu.memref_squeeze %dma_start3A_24 : memref<1x128xi32, #tpu.memory_space<vmem>> -> memref<128xi32, #tpu.memory_space<vmem>>
      %dma_start3A_26 = arith.constant 0 : i32
      %dma_start3A_27 = arith.constant 0 : i32
      %dma_start3A_28 = tpu.memref_slice %arg2[%dma_start3A_26, %dma_start3A_27] : memref<10000x64xf32, #tpu.memory_space<hbm>> -> memref<10000x64xf32, #tpu.memory_space<hbm>>
      tpu.enqueue_indirect_dma source(%dma_start3A_28 : memref<10000x64xf32, #tpu.memory_space<hbm>>) target(%arg15 : memref<128x64xf32, #tpu.memory_space<vmem>>) offsets(%dma_start3A_25 : memref<128xi32, #tpu.memory_space<vmem>>) semaphore(%arg22 : memref<!tpu.dma_semaphore, #tpu.memory_space<semaphore_mem>>)
      %dma_start3A_29 = arith.constant 3 : i32
      %dma_start3A_30 = arith.constant 0 : i32
      %dma_start3A_31 = tpu.memref_slice %arg11[%dma_start3A_29, %dma_start3A_30] : memref<160x128xi32, #tpu.memory_space<vmem>> -> memref<1x128xi32, #tpu.memory_space<vmem>>
      %dma_start3A_32 = tpu.memref_squeeze %dma_start3A_31 : memref<1x128xi32, #tpu.memory_space<vmem>> -> memref<128xi32, #tpu.memory_space<vmem>>
      %dma_start3A_33 = arith.constant 0 : i32
      %dma_start3A_34 = arith.constant 0 : i32
      %dma_start3A_35 = tpu.memref_slice %arg2[%dma_start3A_33, %dma_start3A_34] : memref<10000x64xf32, #tpu.memory_space<hbm>> -> memref<10000x64xf32, #tpu.memory_space<hbm>>
      tpu.enqueue_indirect_dma source(%dma_start3A_35 : memref<10000x64xf32, #tpu.memory_space<hbm>>) target(%arg16 : memref<128x64xf32, #tpu.memory_space<vmem>>) offsets(%dma_start3A_32 : memref<128xi32, #tpu.memory_space<vmem>>) semaphore(%arg23 : memref<!tpu.dma_semaphore, #tpu.memory_space<semaphore_mem>>)
      %scan3A = arith.constant 0 : i32
      %scan3A_36 = arith.constant 0 : i32
      %scan3A_37 = arith.constant 39 : i32
      %scan3A_38 = arith.addi %scan3A_36, %scan3A_37 : i32
      %scan3A_39 = arith.constant 1 : i32
      scf.for %scan3A_75 = %scan3A_36 to %scan3A_38 step %scan3A_39  : i32 {
        %mul3A_76 = arith.constant 4 : i32
        %mul3A_77 = arith.muli %scan3A_75, %mul3A_76 : i32
        %add3A = arith.constant 0 : i32
        %add3A_78 = arith.addi %mul3A_77, %add3A : i32
        %dma_wait3A_79 = arith.constant 0 : i32
        %dma_wait3A_80 = tpu.memref_slice %arg11[%add3A_78, %dma_wait3A_79] : memref<160x128xi32, #tpu.memory_space<vmem>> -> memref<1x128xi32, #tpu.memory_space<vmem>>
        %dma_wait3A_81 = tpu.memref_squeeze %dma_wait3A_80 : memref<1x128xi32, #tpu.memory_space<vmem>> -> memref<128xi32, #tpu.memory_space<vmem>>
        %dma_wait3A_82 = arith.constant 0 : i32
        %dma_wait3A_83 = arith.constant 0 : i32
        %dma_wait3A_84 = tpu.memref_slice %arg2[%dma_wait3A_82, %dma_wait3A_83] : memref<10000x64xf32, #tpu.memory_space<hbm>> -> memref<10000x64xf32, #tpu.memory_space<hbm>>
        tpu.wait_indirect_dma semaphore(%arg20 : memref<!tpu.dma_semaphore, #tpu.memory_space<semaphore_mem>>) src(%dma_wait3A_84 : memref<10000x64xf32, #tpu.memory_space<hbm>>) dst(%arg13 : memref<128x64xf32, #tpu.memory_space<vmem>>)
        "tpu.region"() ({
          %run_scoped3A_147 = tpu.sem_alloc : memref<!tpu.dma_semaphore, #tpu.memory_space<semaphore_mem>>
          %dma_start3A_148 = arith.constant 0 : i32
          %dma_start3A_149 = tpu.memref_slice %arg12[%add3A_78, %dma_start3A_148] : memref<160x128xi32, #tpu.memory_space<vmem>> -> memref<1x128xi32, #tpu.memory_space<vmem>>
          %dma_start3A_150 = tpu.memref_squeeze %dma_start3A_149 : memref<1x128xi32, #tpu.memory_space<vmem>> -> memref<128xi32, #tpu.memory_space<vmem>>
          %dma_start3A_151 = arith.constant 0 : i32
          %dma_start3A_152 = arith.constant 0 : i32
          %dma_start3A_153 = tpu.memref_slice %arg18[%dma_start3A_151, %dma_start3A_152] : memref<10112x64xf32, #tpu.memory_space<vmem_shared>> -> memref<10112x64xf32, #tpu.memory_space<vmem_shared>>
          tpu.enqueue_indirect_dma source(%arg13 : memref<128x64xf32, #tpu.memory_space<vmem>>) target(%dma_start3A_153 : memref<10112x64xf32, #tpu.memory_space<vmem_shared>>) offsets(%dma_start3A_150 : memref<128xi32, #tpu.memory_space<vmem>>) semaphore(%run_scoped3A_147 : memref<!tpu.dma_semaphore, #tpu.memory_space<semaphore_mem>>) {add = true}
          %dma_wait3A_154 = arith.constant 0 : i32
          %dma_wait3A_155 = tpu.memref_slice %arg12[%add3A_78, %dma_wait3A_154] : memref<160x128xi32, #tpu.memory_space<vmem>> -> memref<1x128xi32, #tpu.memory_space<vmem>>
          %dma_wait3A_156 = tpu.memref_squeeze %dma_wait3A_155 : memref<1x128xi32, #tpu.memory_space<vmem>> -> memref<128xi32, #tpu.memory_space<vmem>>
          %dma_wait3A_157 = arith.constant 0 : i32
          %dma_wait3A_158 = arith.constant 0 : i32
          %dma_wait3A_159 = tpu.memref_slice %arg18[%dma_wait3A_157, %dma_wait3A_158] : memref<10112x64xf32, #tpu.memory_space<vmem_shared>> -> memref<10112x64xf32, #tpu.memory_space<vmem_shared>>
          tpu.wait_indirect_dma semaphore(%run_scoped3A_147 : memref<!tpu.dma_semaphore, #tpu.memory_space<semaphore_mem>>) src(%arg13 : memref<128x64xf32, #tpu.memory_space<vmem>>) dst(%dma_wait3A_159 : memref<10112x64xf32, #tpu.memory_space<vmem_shared>>)
          tpu.yield
        }) : () -> ()
        "tpu.region"() ({
          %run_scoped3A_147 = tpu.sem_alloc : memref<!tpu.dma_semaphore, #tpu.memory_space<semaphore_mem>>
          %dma_start3A_148 = arith.constant 0 : i32
          %dma_start3A_149 = tpu.memref_slice %arg12[%add3A_78, %dma_start3A_148] : memref<160x128xi32, #tpu.memory_space<vmem>> -> memref<1x128xi32, #tpu.memory_space<vmem>>
          %dma_start3A_150 = tpu.memref_squeeze %dma_start3A_149 : memref<1x128xi32, #tpu.memory_space<vmem>> -> memref<128xi32, #tpu.memory_space<vmem>>
          %dma_start3A_151 = arith.constant 0 : i32
          %dma_start3A_152 = arith.constant 0 : i32
          %dma_start3A_153 = tpu.memref_slice %arg19[%dma_start3A_151, %dma_start3A_152] : memref<10112x16xf32, #tpu.memory_space<vmem_shared>> -> memref<10112x16xf32, #tpu.memory_space<vmem_shared>>
          tpu.enqueue_indirect_dma source(%arg17 : memref<128x16xf32, #tpu.memory_space<vmem>>) target(%dma_start3A_153 : memref<10112x16xf32, #tpu.memory_space<vmem_shared>>) offsets(%dma_start3A_150 : memref<128xi32, #tpu.memory_space<vmem>>) semaphore(%run_scoped3A_147 : memref<!tpu.dma_semaphore, #tpu.memory_space<semaphore_mem>>) {add = true}
          %dma_wait3A_154 = arith.constant 0 : i32
          %dma_wait3A_155 = tpu.memref_slice %arg12[%add3A_78, %dma_wait3A_154] : memref<160x128xi32, #tpu.memory_space<vmem>> -> memref<1x128xi32, #tpu.memory_space<vmem>>
          %dma_wait3A_156 = tpu.memref_squeeze %dma_wait3A_155 : memref<1x128xi32, #tpu.memory_space<vmem>> -> memref<128xi32, #tpu.memory_space<vmem>>
          %dma_wait3A_157 = arith.constant 0 : i32
          %dma_wait3A_158 = arith.constant 0 : i32
          %dma_wait3A_159 = tpu.memref_slice %arg19[%dma_wait3A_157, %dma_wait3A_158] : memref<10112x16xf32, #tpu.memory_space<vmem_shared>> -> memref<10112x16xf32, #tpu.memory_space<vmem_shared>>
          tpu.wait_indirect_dma semaphore(%run_scoped3A_147 : memref<!tpu.dma_semaphore, #tpu.memory_space<semaphore_mem>>) src(%arg17 : memref<128x16xf32, #tpu.memory_space<vmem>>) dst(%dma_wait3A_159 : memref<10112x16xf32, #tpu.memory_space<vmem_shared>>)
          tpu.yield
        }) : () -> ()
        %add3A_85 = arith.constant 4 : i32
        %add3A_86 = arith.addi %add3A_78, %add3A_85 : i32
        %dma_start3A_87 = arith.constant 0 : i32
        %dma_start3A_88 = tpu.memref_slice %arg11[%add3A_86, %dma_start3A_87] : memref<160x128xi32, #tpu.memory_space<vmem>> -> memref<1x128xi32, #tpu.memory_space<vmem>>
        %dma_start3A_89 = tpu.memref_squeeze %dma_start3A_88 : memref<1x128xi32, #tpu.memory_space<vmem>> -> memref<128xi32, #tpu.memory_space<vmem>>
        %dma_start3A_90 = arith.constant 0 : i32
        %dma_start3A_91 = arith.constant 0 : i32
        %dma_start3A_92 = tpu.memref_slice %arg2[%dma_start3A_90, %dma_start3A_91] : memref<10000x64xf32, #tpu.memory_space<hbm>> -> memref<10000x64xf32, #tpu.memory_space<hbm>>
        tpu.enqueue_indirect_dma source(%dma_start3A_92 : memref<10000x64xf32, #tpu.memory_space<hbm>>) target(%arg13 : memref<128x64xf32, #tpu.memory_space<vmem>>) offsets(%dma_start3A_89 : memref<128xi32, #tpu.memory_space<vmem>>) semaphore(%arg20 : memref<!tpu.dma_semaphore, #tpu.memory_space<semaphore_mem>>)
        %mul3A_93 = arith.constant 4 : i32
        %mul3A_94 = arith.muli %scan3A_75, %mul3A_93 : i32
        %add3A_95 = arith.constant 1 : i32
        %add3A_96 = arith.addi %mul3A_94, %add3A_95 : i32
        %dma_wait3A_97 = arith.constant 0 : i32
        %dma_wait3A_98 = tpu.memref_slice %arg11[%add3A_96, %dma_wait3A_97] : memref<160x128xi32, #tpu.memory_space<vmem>> -> memref<1x128xi32, #tpu.memory_space<vmem>>
        %dma_wait3A_99 = tpu.memref_squeeze %dma_wait3A_98 : memref<1x128xi32, #tpu.memory_space<vmem>> -> memref<128xi32, #tpu.memory_space<vmem>>
        %dma_wait3A_100 = arith.constant 0 : i32
        %dma_wait3A_101 = arith.constant 0 : i32
        %dma_wait3A_102 = tpu.memref_slice %arg2[%dma_wait3A_100, %dma_wait3A_101] : memref<10000x64xf32, #tpu.memory_space<hbm>> -> memref<10000x64xf32, #tpu.memory_space<hbm>>
        tpu.wait_indirect_dma semaphore(%arg21 : memref<!tpu.dma_semaphore, #tpu.memory_space<semaphore_mem>>) src(%dma_wait3A_102 : memref<10000x64xf32, #tpu.memory_space<hbm>>) dst(%arg14 : memref<128x64xf32, #tpu.memory_space<vmem>>)
        "tpu.region"() ({
          %run_scoped3A_147 = tpu.sem_alloc : memref<!tpu.dma_semaphore, #tpu.memory_space<semaphore_mem>>
          %dma_start3A_148 = arith.constant 0 : i32
          %dma_start3A_149 = tpu.memref_slice %arg12[%add3A_96, %dma_start3A_148] : memref<160x128xi32, #tpu.memory_space<vmem>> -> memref<1x128xi32, #tpu.memory_space<vmem>>
          %dma_start3A_150 = tpu.memref_squeeze %dma_start3A_149 : memref<1x128xi32, #tpu.memory_space<vmem>> -> memref<128xi32, #tpu.memory_space<vmem>>
          %dma_start3A_151 = arith.constant 0 : i32
          %dma_start3A_152 = arith.constant 0 : i32
          %dma_start3A_153 = tpu.memref_slice %arg18[%dma_start3A_151, %dma_start3A_152] : memref<10112x64xf32, #tpu.memory_space<vmem_shared>> -> memref<10112x64xf32, #tpu.memory_space<vmem_shared>>
          tpu.enqueue_indirect_dma source(%arg14 : memref<128x64xf32, #tpu.memory_space<vmem>>) target(%dma_start3A_153 : memref<10112x64xf32, #tpu.memory_space<vmem_shared>>) offsets(%dma_start3A_150 : memref<128xi32, #tpu.memory_space<vmem>>) semaphore(%run_scoped3A_147 : memref<!tpu.dma_semaphore, #tpu.memory_space<semaphore_mem>>) {add = true}
          %dma_wait3A_154 = arith.constant 0 : i32
          %dma_wait3A_155 = tpu.memref_slice %arg12[%add3A_96, %dma_wait3A_154] : memref<160x128xi32, #tpu.memory_space<vmem>> -> memref<1x128xi32, #tpu.memory_space<vmem>>
          %dma_wait3A_156 = tpu.memref_squeeze %dma_wait3A_155 : memref<1x128xi32, #tpu.memory_space<vmem>> -> memref<128xi32, #tpu.memory_space<vmem>>
          %dma_wait3A_157 = arith.constant 0 : i32
          %dma_wait3A_158 = arith.constant 0 : i32
          %dma_wait3A_159 = tpu.memref_slice %arg18[%dma_wait3A_157, %dma_wait3A_158] : memref<10112x64xf32, #tpu.memory_space<vmem_shared>> -> memref<10112x64xf32, #tpu.memory_space<vmem_shared>>
          tpu.wait_indirect_dma semaphore(%run_scoped3A_147 : memref<!tpu.dma_semaphore, #tpu.memory_space<semaphore_mem>>) src(%arg14 : memref<128x64xf32, #tpu.memory_space<vmem>>) dst(%dma_wait3A_159 : memref<10112x64xf32, #tpu.memory_space<vmem_shared>>)
          tpu.yield
        }) : () -> ()
        "tpu.region"() ({
          %run_scoped3A_147 = tpu.sem_alloc : memref<!tpu.dma_semaphore, #tpu.memory_space<semaphore_mem>>
          %dma_start3A_148 = arith.constant 0 : i32
          %dma_start3A_149 = tpu.memref_slice %arg12[%add3A_96, %dma_start3A_148] : memref<160x128xi32, #tpu.memory_space<vmem>> -> memref<1x128xi32, #tpu.memory_space<vmem>>
          %dma_start3A_150 = tpu.memref_squeeze %dma_start3A_149 : memref<1x128xi32, #tpu.memory_space<vmem>> -> memref<128xi32, #tpu.memory_space<vmem>>
          %dma_start3A_151 = arith.constant 0 : i32
          %dma_start3A_152 = arith.constant 0 : i32
          %dma_start3A_153 = tpu.memref_slice %arg19[%dma_start3A_151, %dma_start3A_152] : memref<10112x16xf32, #tpu.memory_space<vmem_shared>> -> memref<10112x16xf32, #tpu.memory_space<vmem_shared>>
          tpu.enqueue_indirect_dma source(%arg17 : memref<128x16xf32, #tpu.memory_space<vmem>>) target(%dma_start3A_153 : memref<10112x16xf32, #tpu.memory_space<vmem_shared>>) offsets(%dma_start3A_150 : memref<128xi32, #tpu.memory_space<vmem>>) semaphore(%run_scoped3A_147 : memref<!tpu.dma_semaphore, #tpu.memory_space<semaphore_mem>>) {add = true}
          %dma_wait3A_154 = arith.constant 0 : i32
          %dma_wait3A_155 = tpu.memref_slice %arg12[%add3A_96, %dma_wait3A_154] : memref<160x128xi32, #tpu.memory_space<vmem>> -> memref<1x128xi32, #tpu.memory_space<vmem>>
          %dma_wait3A_156 = tpu.memref_squeeze %dma_wait3A_155 : memref<1x128xi32, #tpu.memory_space<vmem>> -> memref<128xi32, #tpu.memory_space<vmem>>
          %dma_wait3A_157 = arith.constant 0 : i32
          %dma_wait3A_158 = arith.constant 0 : i32
          %dma_wait3A_159 = tpu.memref_slice %arg19[%dma_wait3A_157, %dma_wait3A_158] : memref<10112x16xf32, #tpu.memory_space<vmem_shared>> -> memref<10112x16xf32, #tpu.memory_space<vmem_shared>>
          tpu.wait_indirect_dma semaphore(%run_scoped3A_147 : memref<!tpu.dma_semaphore, #tpu.memory_space<semaphore_mem>>) src(%arg17 : memref<128x16xf32, #tpu.memory_space<vmem>>) dst(%dma_wait3A_159 : memref<10112x16xf32, #tpu.memory_space<vmem_shared>>)
          tpu.yield
        }) : () -> ()
        %add3A_103 = arith.constant 4 : i32
        %add3A_104 = arith.addi %add3A_96, %add3A_103 : i32
        %dma_start3A_105 = arith.constant 0 : i32
        %dma_start3A_106 = tpu.memref_slice %arg11[%add3A_104, %dma_start3A_105] : memref<160x128xi32, #tpu.memory_space<vmem>> -> memref<1x128xi32, #tpu.memory_space<vmem>>
        %dma_start3A_107 = tpu.memref_squeeze %dma_start3A_106 : memref<1x128xi32, #tpu.memory_space<vmem>> -> memref<128xi32, #tpu.memory_space<vmem>>
        %dma_start3A_108 = arith.constant 0 : i32
        %dma_start3A_109 = arith.constant 0 : i32
        %dma_start3A_110 = tpu.memref_slice %arg2[%dma_start3A_108, %dma_start3A_109] : memref<10000x64xf32, #tpu.memory_space<hbm>> -> memref<10000x64xf32, #tpu.memory_space<hbm>>
        tpu.enqueue_indirect_dma source(%dma_start3A_110 : memref<10000x64xf32, #tpu.memory_space<hbm>>) target(%arg14 : memref<128x64xf32, #tpu.memory_space<vmem>>) offsets(%dma_start3A_107 : memref<128xi32, #tpu.memory_space<vmem>>) semaphore(%arg21 : memref<!tpu.dma_semaphore, #tpu.memory_space<semaphore_mem>>)
        %mul3A_111 = arith.constant 4 : i32
        %mul3A_112 = arith.muli %scan3A_75, %mul3A_111 : i32
        %add3A_113 = arith.constant 2 : i32
        %add3A_114 = arith.addi %mul3A_112, %add3A_113 : i32
        %dma_wait3A_115 = arith.constant 0 : i32
        %dma_wait3A_116 = tpu.memref_slice %arg11[%add3A_114, %dma_wait3A_115] : memref<160x128xi32, #tpu.memory_space<vmem>> -> memref<1x128xi32, #tpu.memory_space<vmem>>
        %dma_wait3A_117 = tpu.memref_squeeze %dma_wait3A_116 : memref<1x128xi32, #tpu.memory_space<vmem>> -> memref<128xi32, #tpu.memory_space<vmem>>
        %dma_wait3A_118 = arith.constant 0 : i32
        %dma_wait3A_119 = arith.constant 0 : i32
        %dma_wait3A_120 = tpu.memref_slice %arg2[%dma_wait3A_118, %dma_wait3A_119] : memref<10000x64xf32, #tpu.memory_space<hbm>> -> memref<10000x64xf32, #tpu.memory_space<hbm>>
        tpu.wait_indirect_dma semaphore(%arg22 : memref<!tpu.dma_semaphore, #tpu.memory_space<semaphore_mem>>) src(%dma_wait3A_120 : memref<10000x64xf32, #tpu.memory_space<hbm>>) dst(%arg15 : memref<128x64xf32, #tpu.memory_space<vmem>>)
        "tpu.region"() ({
          %run_scoped3A_147 = tpu.sem_alloc : memref<!tpu.dma_semaphore, #tpu.memory_space<semaphore_mem>>
          %dma_start3A_148 = arith.constant 0 : i32
          %dma_start3A_149 = tpu.memref_slice %arg12[%add3A_114, %dma_start3A_148] : memref<160x128xi32, #tpu.memory_space<vmem>> -> memref<1x128xi32, #tpu.memory_space<vmem>>
          %dma_start3A_150 = tpu.memref_squeeze %dma_start3A_149 : memref<1x128xi32, #tpu.memory_space<vmem>> -> memref<128xi32, #tpu.memory_space<vmem>>
          %dma_start3A_151 = arith.constant 0 : i32
          %dma_start3A_152 = arith.constant 0 : i32
          %dma_start3A_153 = tpu.memref_slice %arg18[%dma_start3A_151, %dma_start3A_152] : memref<10112x64xf32, #tpu.memory_space<vmem_shared>> -> memref<10112x64xf32, #tpu.memory_space<vmem_shared>>
          tpu.enqueue_indirect_dma source(%arg15 : memref<128x64xf32, #tpu.memory_space<vmem>>) target(%dma_start3A_153 : memref<10112x64xf32, #tpu.memory_space<vmem_shared>>) offsets(%dma_start3A_150 : memref<128xi32, #tpu.memory_space<vmem>>) semaphore(%run_scoped3A_147 : memref<!tpu.dma_semaphore, #tpu.memory_space<semaphore_mem>>) {add = true}
          %dma_wait3A_154 = arith.constant 0 : i32
          %dma_wait3A_155 = tpu.memref_slice %arg12[%add3A_114, %dma_wait3A_154] : memref<160x128xi32, #tpu.memory_space<vmem>> -> memref<1x128xi32, #tpu.memory_space<vmem>>
          %dma_wait3A_156 = tpu.memref_squeeze %dma_wait3A_155 : memref<1x128xi32, #tpu.memory_space<vmem>> -> memref<128xi32, #tpu.memory_space<vmem>>
          %dma_wait3A_157 = arith.constant 0 : i32
          %dma_wait3A_158 = arith.constant 0 : i32
          %dma_wait3A_159 = tpu.memref_slice %arg18[%dma_wait3A_157, %dma_wait3A_158] : memref<10112x64xf32, #tpu.memory_space<vmem_shared>> -> memref<10112x64xf32, #tpu.memory_space<vmem_shared>>
          tpu.wait_indirect_dma semaphore(%run_scoped3A_147 : memref<!tpu.dma_semaphore, #tpu.memory_space<semaphore_mem>>) src(%arg15 : memref<128x64xf32, #tpu.memory_space<vmem>>) dst(%dma_wait3A_159 : memref<10112x64xf32, #tpu.memory_space<vmem_shared>>)
          tpu.yield
        }) : () -> ()
        "tpu.region"() ({
          %run_scoped3A_147 = tpu.sem_alloc : memref<!tpu.dma_semaphore, #tpu.memory_space<semaphore_mem>>
          %dma_start3A_148 = arith.constant 0 : i32
          %dma_start3A_149 = tpu.memref_slice %arg12[%add3A_114, %dma_start3A_148] : memref<160x128xi32, #tpu.memory_space<vmem>> -> memref<1x128xi32, #tpu.memory_space<vmem>>
          %dma_start3A_150 = tpu.memref_squeeze %dma_start3A_149 : memref<1x128xi32, #tpu.memory_space<vmem>> -> memref<128xi32, #tpu.memory_space<vmem>>
          %dma_start3A_151 = arith.constant 0 : i32
          %dma_start3A_152 = arith.constant 0 : i32
          %dma_start3A_153 = tpu.memref_slice %arg19[%dma_start3A_151, %dma_start3A_152] : memref<10112x16xf32, #tpu.memory_space<vmem_shared>> -> memref<10112x16xf32, #tpu.memory_space<vmem_shared>>
          tpu.enqueue_indirect_dma source(%arg17 : memref<128x16xf32, #tpu.memory_space<vmem>>) target(%dma_start3A_153 : memref<10112x16xf32, #tpu.memory_space<vmem_shared>>) offsets(%dma_start3A_150 : memref<128xi32, #tpu.memory_space<vmem>>) semaphore(%run_scoped3A_147 : memref<!tpu.dma_semaphore, #tpu.memory_space<semaphore_mem>>) {add = true}
          %dma_wait3A_154 = arith.constant 0 : i32
          %dma_wait3A_155 = tpu.memref_slice %arg12[%add3A_114, %dma_wait3A_154] : memref<160x128xi32, #tpu.memory_space<vmem>> -> memref<1x128xi32, #tpu.memory_space<vmem>>
          %dma_wait3A_156 = tpu.memref_squeeze %dma_wait3A_155 : memref<1x128xi32, #tpu.memory_space<vmem>> -> memref<128xi32, #tpu.memory_space<vmem>>
          %dma_wait3A_157 = arith.constant 0 : i32
          %dma_wait3A_158 = arith.constant 0 : i32
          %dma_wait3A_159 = tpu.memref_slice %arg19[%dma_wait3A_157, %dma_wait3A_158] : memref<10112x16xf32, #tpu.memory_space<vmem_shared>> -> memref<10112x16xf32, #tpu.memory_space<vmem_shared>>
          tpu.wait_indirect_dma semaphore(%run_scoped3A_147 : memref<!tpu.dma_semaphore, #tpu.memory_space<semaphore_mem>>) src(%arg17 : memref<128x16xf32, #tpu.memory_space<vmem>>) dst(%dma_wait3A_159 : memref<10112x16xf32, #tpu.memory_space<vmem_shared>>)
          tpu.yield
        }) : () -> ()
        %add3A_121 = arith.constant 4 : i32
        %add3A_122 = arith.addi %add3A_114, %add3A_121 : i32
        %dma_start3A_123 = arith.constant 0 : i32
        %dma_start3A_124 = tpu.memref_slice %arg11[%add3A_122, %dma_start3A_123] : memref<160x128xi32, #tpu.memory_space<vmem>> -> memref<1x128xi32, #tpu.memory_space<vmem>>
        %dma_start3A_125 = tpu.memref_squeeze %dma_start3A_124 : memref<1x128xi32, #tpu.memory_space<vmem>> -> memref<128xi32, #tpu.memory_space<vmem>>
        %dma_start3A_126 = arith.constant 0 : i32
        %dma_start3A_127 = arith.constant 0 : i32
        %dma_start3A_128 = tpu.memref_slice %arg2[%dma_start3A_126, %dma_start3A_127] : memref<10000x64xf32, #tpu.memory_space<hbm>> -> memref<10000x64xf32, #tpu.memory_space<hbm>>
        tpu.enqueue_indirect_dma source(%dma_start3A_128 : memref<10000x64xf32, #tpu.memory_space<hbm>>) target(%arg15 : memref<128x64xf32, #tpu.memory_space<vmem>>) offsets(%dma_start3A_125 : memref<128xi32, #tpu.memory_space<vmem>>) semaphore(%arg22 : memref<!tpu.dma_semaphore, #tpu.memory_space<semaphore_mem>>)
        %mul3A_129 = arith.constant 4 : i32
        %mul3A_130 = arith.muli %scan3A_75, %mul3A_129 : i32
        %add3A_131 = arith.constant 3 : i32
        %add3A_132 = arith.addi %mul3A_130, %add3A_131 : i32
        %dma_wait3A_133 = arith.constant 0 : i32
        %dma_wait3A_134 = tpu.memref_slice %arg11[%add3A_132, %dma_wait3A_133] : memref<160x128xi32, #tpu.memory_space<vmem>> -> memref<1x128xi32, #tpu.memory_space<vmem>>
        %dma_wait3A_135 = tpu.memref_squeeze %dma_wait3A_134 : memref<1x128xi32, #tpu.memory_space<vmem>> -> memref<128xi32, #tpu.memory_space<vmem>>
        %dma_wait3A_136 = arith.constant 0 : i32
        %dma_wait3A_137 = arith.constant 0 : i32
        %dma_wait3A_138 = tpu.memref_slice %arg2[%dma_wait3A_136, %dma_wait3A_137] : memref<10000x64xf32, #tpu.memory_space<hbm>> -> memref<10000x64xf32, #tpu.memory_space<hbm>>
        tpu.wait_indirect_dma semaphore(%arg23 : memref<!tpu.dma_semaphore, #tpu.memory_space<semaphore_mem>>) src(%dma_wait3A_138 : memref<10000x64xf32, #tpu.memory_space<hbm>>) dst(%arg16 : memref<128x64xf32, #tpu.memory_space<vmem>>)
        "tpu.region"() ({
          %run_scoped3A_147 = tpu.sem_alloc : memref<!tpu.dma_semaphore, #tpu.memory_space<semaphore_mem>>
          %dma_start3A_148 = arith.constant 0 : i32
          %dma_start3A_149 = tpu.memref_slice %arg12[%add3A_132, %dma_start3A_148] : memref<160x128xi32, #tpu.memory_space<vmem>> -> memref<1x128xi32, #tpu.memory_space<vmem>>
          %dma_start3A_150 = tpu.memref_squeeze %dma_start3A_149 : memref<1x128xi32, #tpu.memory_space<vmem>> -> memref<128xi32, #tpu.memory_space<vmem>>
          %dma_start3A_151 = arith.constant 0 : i32
          %dma_start3A_152 = arith.constant 0 : i32
          %dma_start3A_153 = tpu.memref_slice %arg18[%dma_start3A_151, %dma_start3A_152] : memref<10112x64xf32, #tpu.memory_space<vmem_shared>> -> memref<10112x64xf32, #tpu.memory_space<vmem_shared>>
          tpu.enqueue_indirect_dma source(%arg16 : memref<128x64xf32, #tpu.memory_space<vmem>>) target(%dma_start3A_153 : memref<10112x64xf32, #tpu.memory_space<vmem_shared>>) offsets(%dma_start3A_150 : memref<128xi32, #tpu.memory_space<vmem>>) semaphore(%run_scoped3A_147 : memref<!tpu.dma_semaphore, #tpu.memory_space<semaphore_mem>>) {add = true}
          %dma_wait3A_154 = arith.constant 0 : i32
          %dma_wait3A_155 = tpu.memref_slice %arg12[%add3A_132, %dma_wait3A_154] : memref<160x128xi32, #tpu.memory_space<vmem>> -> memref<1x128xi32, #tpu.memory_space<vmem>>
          %dma_wait3A_156 = tpu.memref_squeeze %dma_wait3A_155 : memref<1x128xi32, #tpu.memory_space<vmem>> -> memref<128xi32, #tpu.memory_space<vmem>>
          %dma_wait3A_157 = arith.constant 0 : i32
          %dma_wait3A_158 = arith.constant 0 : i32
          %dma_wait3A_159 = tpu.memref_slice %arg18[%dma_wait3A_157, %dma_wait3A_158] : memref<10112x64xf32, #tpu.memory_space<vmem_shared>> -> memref<10112x64xf32, #tpu.memory_space<vmem_shared>>
          tpu.wait_indirect_dma semaphore(%run_scoped3A_147 : memref<!tpu.dma_semaphore, #tpu.memory_space<semaphore_mem>>) src(%arg16 : memref<128x64xf32, #tpu.memory_space<vmem>>) dst(%dma_wait3A_159 : memref<10112x64xf32, #tpu.memory_space<vmem_shared>>)
          tpu.yield
        }) : () -> ()
        "tpu.region"() ({
          %run_scoped3A_147 = tpu.sem_alloc : memref<!tpu.dma_semaphore, #tpu.memory_space<semaphore_mem>>
          %dma_start3A_148 = arith.constant 0 : i32
          %dma_start3A_149 = tpu.memref_slice %arg12[%add3A_132, %dma_start3A_148] : memref<160x128xi32, #tpu.memory_space<vmem>> -> memref<1x128xi32, #tpu.memory_space<vmem>>
          %dma_start3A_150 = tpu.memref_squeeze %dma_start3A_149 : memref<1x128xi32, #tpu.memory_space<vmem>> -> memref<128xi32, #tpu.memory_space<vmem>>
          %dma_start3A_151 = arith.constant 0 : i32
          %dma_start3A_152 = arith.constant 0 : i32
          %dma_start3A_153 = tpu.memref_slice %arg19[%dma_start3A_151, %dma_start3A_152] : memref<10112x16xf32, #tpu.memory_space<vmem_shared>> -> memref<10112x16xf32, #tpu.memory_space<vmem_shared>>
          tpu.enqueue_indirect_dma source(%arg17 : memref<128x16xf32, #tpu.memory_space<vmem>>) target(%dma_start3A_153 : memref<10112x16xf32, #tpu.memory_space<vmem_shared>>) offsets(%dma_start3A_150 : memref<128xi32, #tpu.memory_space<vmem>>) semaphore(%run_scoped3A_147 : memref<!tpu.dma_semaphore, #tpu.memory_space<semaphore_mem>>) {add = true}
          %dma_wait3A_154 = arith.constant 0 : i32
          %dma_wait3A_155 = tpu.memref_slice %arg12[%add3A_132, %dma_wait3A_154] : memref<160x128xi32, #tpu.memory_space<vmem>> -> memref<1x128xi32, #tpu.memory_space<vmem>>
          %dma_wait3A_156 = tpu.memref_squeeze %dma_wait3A_155 : memref<1x128xi32, #tpu.memory_space<vmem>> -> memref<128xi32, #tpu.memory_space<vmem>>
          %dma_wait3A_157 = arith.constant 0 : i32
          %dma_wait3A_158 = arith.constant 0 : i32
          %dma_wait3A_159 = tpu.memref_slice %arg19[%dma_wait3A_157, %dma_wait3A_158] : memref<10112x16xf32, #tpu.memory_space<vmem_shared>> -> memref<10112x16xf32, #tpu.memory_space<vmem_shared>>
          tpu.wait_indirect_dma semaphore(%run_scoped3A_147 : memref<!tpu.dma_semaphore, #tpu.memory_space<semaphore_mem>>) src(%arg17 : memref<128x16xf32, #tpu.memory_space<vmem>>) dst(%dma_wait3A_159 : memref<10112x16xf32, #tpu.memory_space<vmem_shared>>)
          tpu.yield
        }) : () -> ()
        %add3A_139 = arith.constant 4 : i32
        %add3A_140 = arith.addi %add3A_132, %add3A_139 : i32
        %dma_start3A_141 = arith.constant 0 : i32
        %dma_start3A_142 = tpu.memref_slice %arg11[%add3A_140, %dma_start3A_141] : memref<160x128xi32, #tpu.memory_space<vmem>> -> memref<1x128xi32, #tpu.memory_space<vmem>>
        %dma_start3A_143 = tpu.memref_squeeze %dma_start3A_142 : memref<1x128xi32, #tpu.memory_space<vmem>> -> memref<128xi32, #tpu.memory_space<vmem>>
        %dma_start3A_144 = arith.constant 0 : i32
        %dma_start3A_145 = arith.constant 0 : i32
        %dma_start3A_146 = tpu.memref_slice %arg2[%dma_start3A_144, %dma_start3A_145] : memref<10000x64xf32, #tpu.memory_space<hbm>> -> memref<10000x64xf32, #tpu.memory_space<hbm>>
        tpu.enqueue_indirect_dma source(%dma_start3A_146 : memref<10000x64xf32, #tpu.memory_space<hbm>>) target(%arg16 : memref<128x64xf32, #tpu.memory_space<vmem>>) offsets(%dma_start3A_143 : memref<128xi32, #tpu.memory_space<vmem>>) semaphore(%arg23 : memref<!tpu.dma_semaphore, #tpu.memory_space<semaphore_mem>>)
      }
      %scan3A_40 = arith.constant 39 : i32
      %dma_wait3A = arith.constant 156 : i32
      %dma_wait3A_41 = arith.constant 0 : i32
      %dma_wait3A_42 = tpu.memref_slice %arg11[%dma_wait3A, %dma_wait3A_41] : memref<160x128xi32, #tpu.memory_space<vmem>> -> memref<1x128xi32, #tpu.memory_space<vmem>>
      %dma_wait3A_43 = tpu.memref_squeeze %dma_wait3A_42 : memref<1x128xi32, #tpu.memory_space<vmem>> -> memref<128xi32, #tpu.memory_space<vmem>>
      %dma_wait3A_44 = arith.constant 0 : i32
      %dma_wait3A_45 = arith.constant 0 : i32
      %dma_wait3A_46 = tpu.memref_slice %arg2[%dma_wait3A_44, %dma_wait3A_45] : memref<10000x64xf32, #tpu.memory_space<hbm>> -> memref<10000x64xf32, #tpu.memory_space<hbm>>
      tpu.wait_indirect_dma semaphore(%arg20 : memref<!tpu.dma_semaphore, #tpu.memory_space<semaphore_mem>>) src(%dma_wait3A_46 : memref<10000x64xf32, #tpu.memory_space<hbm>>) dst(%arg13 : memref<128x64xf32, #tpu.memory_space<vmem>>)
      %run_scoped3A = arith.constant 156 : i32
      "tpu.region"() ({
        %run_scoped3A_75 = tpu.sem_alloc : memref<!tpu.dma_semaphore, #tpu.memory_space<semaphore_mem>>
        %dma_start3A_76 = arith.constant 0 : i32
        %dma_start3A_77 = tpu.memref_slice %arg12[%run_scoped3A, %dma_start3A_76] : memref<160x128xi32, #tpu.memory_space<vmem>> -> memref<1x128xi32, #tpu.memory_space<vmem>>
        %dma_start3A_78 = tpu.memref_squeeze %dma_start3A_77 : memref<1x128xi32, #tpu.memory_space<vmem>> -> memref<128xi32, #tpu.memory_space<vmem>>
        %dma_start3A_79 = arith.constant 0 : i32
        %dma_start3A_80 = arith.constant 0 : i32
        %dma_start3A_81 = tpu.memref_slice %arg18[%dma_start3A_79, %dma_start3A_80] : memref<10112x64xf32, #tpu.memory_space<vmem_shared>> -> memref<10112x64xf32, #tpu.memory_space<vmem_shared>>
        tpu.enqueue_indirect_dma source(%arg13 : memref<128x64xf32, #tpu.memory_space<vmem>>) target(%dma_start3A_81 : memref<10112x64xf32, #tpu.memory_space<vmem_shared>>) offsets(%dma_start3A_78 : memref<128xi32, #tpu.memory_space<vmem>>) semaphore(%run_scoped3A_75 : memref<!tpu.dma_semaphore, #tpu.memory_space<semaphore_mem>>) {add = true}
        %dma_wait3A_82 = arith.constant 0 : i32
        %dma_wait3A_83 = tpu.memref_slice %arg12[%run_scoped3A, %dma_wait3A_82] : memref<160x128xi32, #tpu.memory_space<vmem>> -> memref<1x128xi32, #tpu.memory_space<vmem>>
        %dma_wait3A_84 = tpu.memref_squeeze %dma_wait3A_83 : memref<1x128xi32, #tpu.memory_space<vmem>> -> memref<128xi32, #tpu.memory_space<vmem>>
        %dma_wait3A_85 = arith.constant 0 : i32
        %dma_wait3A_86 = arith.constant 0 : i32
        %dma_wait3A_87 = tpu.memref_slice %arg18[%dma_wait3A_85, %dma_wait3A_86] : memref<10112x64xf32, #tpu.memory_space<vmem_shared>> -> memref<10112x64xf32, #tpu.memory_space<vmem_shared>>
        tpu.wait_indirect_dma semaphore(%run_scoped3A_75 : memref<!tpu.dma_semaphore, #tpu.memory_space<semaphore_mem>>) src(%arg13 : memref<128x64xf32, #tpu.memory_space<vmem>>) dst(%dma_wait3A_87 : memref<10112x64xf32, #tpu.memory_space<vmem_shared>>)
        tpu.yield
      }) : () -> ()
      %run_scoped3A_47 = arith.constant 156 : i32
      "tpu.region"() ({
        %run_scoped3A_75 = tpu.sem_alloc : memref<!tpu.dma_semaphore, #tpu.memory_space<semaphore_mem>>
        %dma_start3A_76 = arith.constant 0 : i32
        %dma_start3A_77 = tpu.memref_slice %arg12[%run_scoped3A_47, %dma_start3A_76] : memref<160x128xi32, #tpu.memory_space<vmem>> -> memref<1x128xi32, #tpu.memory_space<vmem>>
        %dma_start3A_78 = tpu.memref_squeeze %dma_start3A_77 : memref<1x128xi32, #tpu.memory_space<vmem>> -> memref<128xi32, #tpu.memory_space<vmem>>
        %dma_start3A_79 = arith.constant 0 : i32
        %dma_start3A_80 = arith.constant 0 : i32
        %dma_start3A_81 = tpu.memref_slice %arg19[%dma_start3A_79, %dma_start3A_80] : memref<10112x16xf32, #tpu.memory_space<vmem_shared>> -> memref<10112x16xf32, #tpu.memory_space<vmem_shared>>
        tpu.enqueue_indirect_dma source(%arg17 : memref<128x16xf32, #tpu.memory_space<vmem>>) target(%dma_start3A_81 : memref<10112x16xf32, #tpu.memory_space<vmem_shared>>) offsets(%dma_start3A_78 : memref<128xi32, #tpu.memory_space<vmem>>) semaphore(%run_scoped3A_75 : memref<!tpu.dma_semaphore, #tpu.memory_space<semaphore_mem>>) {add = true}
        %dma_wait3A_82 = arith.constant 0 : i32
        %dma_wait3A_83 = tpu.memref_slice %arg12[%run_scoped3A_47, %dma_wait3A_82] : memref<160x128xi32, #tpu.memory_space<vmem>> -> memref<1x128xi32, #tpu.memory_space<vmem>>
        %dma_wait3A_84 = tpu.memref_squeeze %dma_wait3A_83 : memref<1x128xi32, #tpu.memory_space<vmem>> -> memref<128xi32, #tpu.memory_space<vmem>>
        %dma_wait3A_85 = arith.constant 0 : i32
        %dma_wait3A_86 = arith.constant 0 : i32
        %dma_wait3A_87 = tpu.memref_slice %arg19[%dma_wait3A_85, %dma_wait3A_86] : memref<10112x16xf32, #tpu.memory_space<vmem_shared>> -> memref<10112x16xf32, #tpu.memory_space<vmem_shared>>
        tpu.wait_indirect_dma semaphore(%run_scoped3A_75 : memref<!tpu.dma_semaphore, #tpu.memory_space<semaphore_mem>>) src(%arg17 : memref<128x16xf32, #tpu.memory_space<vmem>>) dst(%dma_wait3A_87 : memref<10112x16xf32, #tpu.memory_space<vmem_shared>>)
        tpu.yield
      }) : () -> ()
      %dma_wait3A_48 = arith.constant 157 : i32
      %dma_wait3A_49 = arith.constant 0 : i32
      %dma_wait3A_50 = tpu.memref_slice %arg11[%dma_wait3A_48, %dma_wait3A_49] : memref<160x128xi32, #tpu.memory_space<vmem>> -> memref<1x128xi32, #tpu.memory_space<vmem>>
      %dma_wait3A_51 = tpu.memref_squeeze %dma_wait3A_50 : memref<1x128xi32, #tpu.memory_space<vmem>> -> memref<128xi32, #tpu.memory_space<vmem>>
      %dma_wait3A_52 = arith.constant 0 : i32
      %dma_wait3A_53 = arith.constant 0 : i32
      %dma_wait3A_54 = tpu.memref_slice %arg2[%dma_wait3A_52, %dma_wait3A_53] : memref<10000x64xf32, #tpu.memory_space<hbm>> -> memref<10000x64xf32, #tpu.memory_space<hbm>>
      tpu.wait_indirect_dma semaphore(%arg21 : memref<!tpu.dma_semaphore, #tpu.memory_space<semaphore_mem>>) src(%dma_wait3A_54 : memref<10000x64xf32, #tpu.memory_space<hbm>>) dst(%arg14 : memref<128x64xf32, #tpu.memory_space<vmem>>)
      %run_scoped3A_55 = arith.constant 157 : i32
      "tpu.region"() ({
        %run_scoped3A_75 = tpu.sem_alloc : memref<!tpu.dma_semaphore, #tpu.memory_space<semaphore_mem>>
        %dma_start3A_76 = arith.constant 0 : i32
        %dma_start3A_77 = tpu.memref_slice %arg12[%run_scoped3A_55, %dma_start3A_76] : memref<160x128xi32, #tpu.memory_space<vmem>> -> memref<1x128xi32, #tpu.memory_space<vmem>>
        %dma_start3A_78 = tpu.memref_squeeze %dma_start3A_77 : memref<1x128xi32, #tpu.memory_space<vmem>> -> memref<128xi32, #tpu.memory_space<vmem>>
        %dma_start3A_79 = arith.constant 0 : i32
        %dma_start3A_80 = arith.constant 0 : i32
        %dma_start3A_81 = tpu.memref_slice %arg18[%dma_start3A_79, %dma_start3A_80] : memref<10112x64xf32, #tpu.memory_space<vmem_shared>> -> memref<10112x64xf32, #tpu.memory_space<vmem_shared>>
        tpu.enqueue_indirect_dma source(%arg14 : memref<128x64xf32, #tpu.memory_space<vmem>>) target(%dma_start3A_81 : memref<10112x64xf32, #tpu.memory_space<vmem_shared>>) offsets(%dma_start3A_78 : memref<128xi32, #tpu.memory_space<vmem>>) semaphore(%run_scoped3A_75 : memref<!tpu.dma_semaphore, #tpu.memory_space<semaphore_mem>>) {add = true}
        %dma_wait3A_82 = arith.constant 0 : i32
        %dma_wait3A_83 = tpu.memref_slice %arg12[%run_scoped3A_55, %dma_wait3A_82] : memref<160x128xi32, #tpu.memory_space<vmem>> -> memref<1x128xi32, #tpu.memory_space<vmem>>
        %dma_wait3A_84 = tpu.memref_squeeze %dma_wait3A_83 : memref<1x128xi32, #tpu.memory_space<vmem>> -> memref<128xi32, #tpu.memory_space<vmem>>
        %dma_wait3A_85 = arith.constant 0 : i32
        %dma_wait3A_86 = arith.constant 0 : i32
        %dma_wait3A_87 = tpu.memref_slice %arg18[%dma_wait3A_85, %dma_wait3A_86] : memref<10112x64xf32, #tpu.memory_space<vmem_shared>> -> memref<10112x64xf32, #tpu.memory_space<vmem_shared>>
        tpu.wait_indirect_dma semaphore(%run_scoped3A_75 : memref<!tpu.dma_semaphore, #tpu.memory_space<semaphore_mem>>) src(%arg14 : memref<128x64xf32, #tpu.memory_space<vmem>>) dst(%dma_wait3A_87 : memref<10112x64xf32, #tpu.memory_space<vmem_shared>>)
        tpu.yield
      }) : () -> ()
      %run_scoped3A_56 = arith.constant 157 : i32
      "tpu.region"() ({
        %run_scoped3A_75 = tpu.sem_alloc : memref<!tpu.dma_semaphore, #tpu.memory_space<semaphore_mem>>
        %dma_start3A_76 = arith.constant 0 : i32
        %dma_start3A_77 = tpu.memref_slice %arg12[%run_scoped3A_56, %dma_start3A_76] : memref<160x128xi32, #tpu.memory_space<vmem>> -> memref<1x128xi32, #tpu.memory_space<vmem>>
        %dma_start3A_78 = tpu.memref_squeeze %dma_start3A_77 : memref<1x128xi32, #tpu.memory_space<vmem>> -> memref<128xi32, #tpu.memory_space<vmem>>
        %dma_start3A_79 = arith.constant 0 : i32
        %dma_start3A_80 = arith.constant 0 : i32
        %dma_start3A_81 = tpu.memref_slice %arg19[%dma_start3A_79, %dma_start3A_80] : memref<10112x16xf32, #tpu.memory_space<vmem_shared>> -> memref<10112x16xf32, #tpu.memory_space<vmem_shared>>
        tpu.enqueue_indirect_dma source(%arg17 : memref<128x16xf32, #tpu.memory_space<vmem>>) target(%dma_start3A_81 : memref<10112x16xf32, #tpu.memory_space<vmem_shared>>) offsets(%dma_start3A_78 : memref<128xi32, #tpu.memory_space<vmem>>) semaphore(%run_scoped3A_75 : memref<!tpu.dma_semaphore, #tpu.memory_space<semaphore_mem>>) {add = true}
        %dma_wait3A_82 = arith.constant 0 : i32
        %dma_wait3A_83 = tpu.memref_slice %arg12[%run_scoped3A_56, %dma_wait3A_82] : memref<160x128xi32, #tpu.memory_space<vmem>> -> memref<1x128xi32, #tpu.memory_space<vmem>>
        %dma_wait3A_84 = tpu.memref_squeeze %dma_wait3A_83 : memref<1x128xi32, #tpu.memory_space<vmem>> -> memref<128xi32, #tpu.memory_space<vmem>>
        %dma_wait3A_85 = arith.constant 0 : i32
        %dma_wait3A_86 = arith.constant 0 : i32
        %dma_wait3A_87 = tpu.memref_slice %arg19[%dma_wait3A_85, %dma_wait3A_86] : memref<10112x16xf32, #tpu.memory_space<vmem_shared>> -> memref<10112x16xf32, #tpu.memory_space<vmem_shared>>
        tpu.wait_indirect_dma semaphore(%run_scoped3A_75 : memref<!tpu.dma_semaphore, #tpu.memory_space<semaphore_mem>>) src(%arg17 : memref<128x16xf32, #tpu.memory_space<vmem>>) dst(%dma_wait3A_87 : memref<10112x16xf32, #tpu.memory_space<vmem_shared>>)
        tpu.yield
      }) : () -> ()
      %dma_wait3A_57 = arith.constant 158 : i32
      %dma_wait3A_58 = arith.constant 0 : i32
      %dma_wait3A_59 = tpu.memref_slice %arg11[%dma_wait3A_57, %dma_wait3A_58] : memref<160x128xi32, #tpu.memory_space<vmem>> -> memref<1x128xi32, #tpu.memory_space<vmem>>
      %dma_wait3A_60 = tpu.memref_squeeze %dma_wait3A_59 : memref<1x128xi32, #tpu.memory_space<vmem>> -> memref<128xi32, #tpu.memory_space<vmem>>
      %dma_wait3A_61 = arith.constant 0 : i32
      %dma_wait3A_62 = arith.constant 0 : i32
      %dma_wait3A_63 = tpu.memref_slice %arg2[%dma_wait3A_61, %dma_wait3A_62] : memref<10000x64xf32, #tpu.memory_space<hbm>> -> memref<10000x64xf32, #tpu.memory_space<hbm>>
      tpu.wait_indirect_dma semaphore(%arg22 : memref<!tpu.dma_semaphore, #tpu.memory_space<semaphore_mem>>) src(%dma_wait3A_63 : memref<10000x64xf32, #tpu.memory_space<hbm>>) dst(%arg15 : memref<128x64xf32, #tpu.memory_space<vmem>>)
      %run_scoped3A_64 = arith.constant 158 : i32
      "tpu.region"() ({
        %run_scoped3A_75 = tpu.sem_alloc : memref<!tpu.dma_semaphore, #tpu.memory_space<semaphore_mem>>
        %dma_start3A_76 = arith.constant 0 : i32
        %dma_start3A_77 = tpu.memref_slice %arg12[%run_scoped3A_64, %dma_start3A_76] : memref<160x128xi32, #tpu.memory_space<vmem>> -> memref<1x128xi32, #tpu.memory_space<vmem>>
        %dma_start3A_78 = tpu.memref_squeeze %dma_start3A_77 : memref<1x128xi32, #tpu.memory_space<vmem>> -> memref<128xi32, #tpu.memory_space<vmem>>
        %dma_start3A_79 = arith.constant 0 : i32
        %dma_start3A_80 = arith.constant 0 : i32
        %dma_start3A_81 = tpu.memref_slice %arg18[%dma_start3A_79, %dma_start3A_80] : memref<10112x64xf32, #tpu.memory_space<vmem_shared>> -> memref<10112x64xf32, #tpu.memory_space<vmem_shared>>
        tpu.enqueue_indirect_dma source(%arg15 : memref<128x64xf32, #tpu.memory_space<vmem>>) target(%dma_start3A_81 : memref<10112x64xf32, #tpu.memory_space<vmem_shared>>) offsets(%dma_start3A_78 : memref<128xi32, #tpu.memory_space<vmem>>) semaphore(%run_scoped3A_75 : memref<!tpu.dma_semaphore, #tpu.memory_space<semaphore_mem>>) {add = true}
        %dma_wait3A_82 = arith.constant 0 : i32
        %dma_wait3A_83 = tpu.memref_slice %arg12[%run_scoped3A_64, %dma_wait3A_82] : memref<160x128xi32, #tpu.memory_space<vmem>> -> memref<1x128xi32, #tpu.memory_space<vmem>>
        %dma_wait3A_84 = tpu.memref_squeeze %dma_wait3A_83 : memref<1x128xi32, #tpu.memory_space<vmem>> -> memref<128xi32, #tpu.memory_space<vmem>>
        %dma_wait3A_85 = arith.constant 0 : i32
        %dma_wait3A_86 = arith.constant 0 : i32
        %dma_wait3A_87 = tpu.memref_slice %arg18[%dma_wait3A_85, %dma_wait3A_86] : memref<10112x64xf32, #tpu.memory_space<vmem_shared>> -> memref<10112x64xf32, #tpu.memory_space<vmem_shared>>
        tpu.wait_indirect_dma semaphore(%run_scoped3A_75 : memref<!tpu.dma_semaphore, #tpu.memory_space<semaphore_mem>>) src(%arg15 : memref<128x64xf32, #tpu.memory_space<vmem>>) dst(%dma_wait3A_87 : memref<10112x64xf32, #tpu.memory_space<vmem_shared>>)
        tpu.yield
      }) : () -> ()
      %run_scoped3A_65 = arith.constant 158 : i32
      "tpu.region"() ({
        %run_scoped3A_75 = tpu.sem_alloc : memref<!tpu.dma_semaphore, #tpu.memory_space<semaphore_mem>>
        %dma_start3A_76 = arith.constant 0 : i32
        %dma_start3A_77 = tpu.memref_slice %arg12[%run_scoped3A_65, %dma_start3A_76] : memref<160x128xi32, #tpu.memory_space<vmem>> -> memref<1x128xi32, #tpu.memory_space<vmem>>
        %dma_start3A_78 = tpu.memref_squeeze %dma_start3A_77 : memref<1x128xi32, #tpu.memory_space<vmem>> -> memref<128xi32, #tpu.memory_space<vmem>>
        %dma_start3A_79 = arith.constant 0 : i32
        %dma_start3A_80 = arith.constant 0 : i32
        %dma_start3A_81 = tpu.memref_slice %arg19[%dma_start3A_79, %dma_start3A_80] : memref<10112x16xf32, #tpu.memory_space<vmem_shared>> -> memref<10112x16xf32, #tpu.memory_space<vmem_shared>>
        tpu.enqueue_indirect_dma source(%arg17 : memref<128x16xf32, #tpu.memory_space<vmem>>) target(%dma_start3A_81 : memref<10112x16xf32, #tpu.memory_space<vmem_shared>>) offsets(%dma_start3A_78 : memref<128xi32, #tpu.memory_space<vmem>>) semaphore(%run_scoped3A_75 : memref<!tpu.dma_semaphore, #tpu.memory_space<semaphore_mem>>) {add = true}
        %dma_wait3A_82 = arith.constant 0 : i32
        %dma_wait3A_83 = tpu.memref_slice %arg12[%run_scoped3A_65, %dma_wait3A_82] : memref<160x128xi32, #tpu.memory_space<vmem>> -> memref<1x128xi32, #tpu.memory_space<vmem>>
        %dma_wait3A_84 = tpu.memref_squeeze %dma_wait3A_83 : memref<1x128xi32, #tpu.memory_space<vmem>> -> memref<128xi32, #tpu.memory_space<vmem>>
        %dma_wait3A_85 = arith.constant 0 : i32
        %dma_wait3A_86 = arith.constant 0 : i32
        %dma_wait3A_87 = tpu.memref_slice %arg19[%dma_wait3A_85, %dma_wait3A_86] : memref<10112x16xf32, #tpu.memory_space<vmem_shared>> -> memref<10112x16xf32, #tpu.memory_space<vmem_shared>>
        tpu.wait_indirect_dma semaphore(%run_scoped3A_75 : memref<!tpu.dma_semaphore, #tpu.memory_space<semaphore_mem>>) src(%arg17 : memref<128x16xf32, #tpu.memory_space<vmem>>) dst(%dma_wait3A_87 : memref<10112x16xf32, #tpu.memory_space<vmem_shared>>)
        tpu.yield
      }) : () -> ()
      %dma_wait3A_66 = arith.constant 159 : i32
      %dma_wait3A_67 = arith.constant 0 : i32
      %dma_wait3A_68 = tpu.memref_slice %arg11[%dma_wait3A_66, %dma_wait3A_67] : memref<160x128xi32, #tpu.memory_space<vmem>> -> memref<1x128xi32, #tpu.memory_space<vmem>>
      %dma_wait3A_69 = tpu.memref_squeeze %dma_wait3A_68 : memref<1x128xi32, #tpu.memory_space<vmem>> -> memref<128xi32, #tpu.memory_space<vmem>>
      %dma_wait3A_70 = arith.constant 0 : i32
      %dma_wait3A_71 = arith.constant 0 : i32
      %dma_wait3A_72 = tpu.memref_slice %arg2[%dma_wait3A_70, %dma_wait3A_71] : memref<10000x64xf32, #tpu.memory_space<hbm>> -> memref<10000x64xf32, #tpu.memory_space<hbm>>
      tpu.wait_indirect_dma semaphore(%arg23 : memref<!tpu.dma_semaphore, #tpu.memory_space<semaphore_mem>>) src(%dma_wait3A_72 : memref<10000x64xf32, #tpu.memory_space<hbm>>) dst(%arg16 : memref<128x64xf32, #tpu.memory_space<vmem>>)
      %run_scoped3A_73 = arith.constant 159 : i32
      "tpu.region"() ({
        %run_scoped3A_75 = tpu.sem_alloc : memref<!tpu.dma_semaphore, #tpu.memory_space<semaphore_mem>>
        %dma_start3A_76 = arith.constant 0 : i32
        %dma_start3A_77 = tpu.memref_slice %arg12[%run_scoped3A_73, %dma_start3A_76] : memref<160x128xi32, #tpu.memory_space<vmem>> -> memref<1x128xi32, #tpu.memory_space<vmem>>
        %dma_start3A_78 = tpu.memref_squeeze %dma_start3A_77 : memref<1x128xi32, #tpu.memory_space<vmem>> -> memref<128xi32, #tpu.memory_space<vmem>>
        %dma_start3A_79 = arith.constant 0 : i32
        %dma_start3A_80 = arith.constant 0 : i32
        %dma_start3A_81 = tpu.memref_slice %arg18[%dma_start3A_79, %dma_start3A_80] : memref<10112x64xf32, #tpu.memory_space<vmem_shared>> -> memref<10112x64xf32, #tpu.memory_space<vmem_shared>>
        tpu.enqueue_indirect_dma source(%arg16 : memref<128x64xf32, #tpu.memory_space<vmem>>) target(%dma_start3A_81 : memref<10112x64xf32, #tpu.memory_space<vmem_shared>>) offsets(%dma_start3A_78 : memref<128xi32, #tpu.memory_space<vmem>>) semaphore(%run_scoped3A_75 : memref<!tpu.dma_semaphore, #tpu.memory_space<semaphore_mem>>) {add = true}
        %dma_wait3A_82 = arith.constant 0 : i32
        %dma_wait3A_83 = tpu.memref_slice %arg12[%run_scoped3A_73, %dma_wait3A_82] : memref<160x128xi32, #tpu.memory_space<vmem>> -> memref<1x128xi32, #tpu.memory_space<vmem>>
        %dma_wait3A_84 = tpu.memref_squeeze %dma_wait3A_83 : memref<1x128xi32, #tpu.memory_space<vmem>> -> memref<128xi32, #tpu.memory_space<vmem>>
        %dma_wait3A_85 = arith.constant 0 : i32
        %dma_wait3A_86 = arith.constant 0 : i32
        %dma_wait3A_87 = tpu.memref_slice %arg18[%dma_wait3A_85, %dma_wait3A_86] : memref<10112x64xf32, #tpu.memory_space<vmem_shared>> -> memref<10112x64xf32, #tpu.memory_space<vmem_shared>>
        tpu.wait_indirect_dma semaphore(%run_scoped3A_75 : memref<!tpu.dma_semaphore, #tpu.memory_space<semaphore_mem>>) src(%arg16 : memref<128x64xf32, #tpu.memory_space<vmem>>) dst(%dma_wait3A_87 : memref<10112x64xf32, #tpu.memory_space<vmem_shared>>)
        tpu.yield
      }) : () -> ()
      %run_scoped3A_74 = arith.constant 159 : i32
      "tpu.region"() ({
        %run_scoped3A_75 = tpu.sem_alloc : memref<!tpu.dma_semaphore, #tpu.memory_space<semaphore_mem>>
        %dma_start3A_76 = arith.constant 0 : i32
        %dma_start3A_77 = tpu.memref_slice %arg12[%run_scoped3A_74, %dma_start3A_76] : memref<160x128xi32, #tpu.memory_space<vmem>> -> memref<1x128xi32, #tpu.memory_space<vmem>>
        %dma_start3A_78 = tpu.memref_squeeze %dma_start3A_77 : memref<1x128xi32, #tpu.memory_space<vmem>> -> memref<128xi32, #tpu.memory_space<vmem>>
        %dma_start3A_79 = arith.constant 0 : i32
        %dma_start3A_80 = arith.constant 0 : i32
        %dma_start3A_81 = tpu.memref_slice %arg19[%dma_start3A_79, %dma_start3A_80] : memref<10112x16xf32, #tpu.memory_space<vmem_shared>> -> memref<10112x16xf32, #tpu.memory_space<vmem_shared>>
        tpu.enqueue_indirect_dma source(%arg17 : memref<128x16xf32, #tpu.memory_space<vmem>>) target(%dma_start3A_81 : memref<10112x16xf32, #tpu.memory_space<vmem_shared>>) offsets(%dma_start3A_78 : memref<128xi32, #tpu.memory_space<vmem>>) semaphore(%run_scoped3A_75 : memref<!tpu.dma_semaphore, #tpu.memory_space<semaphore_mem>>) {add = true}
        %dma_wait3A_82 = arith.constant 0 : i32
        %dma_wait3A_83 = tpu.memref_slice %arg12[%run_scoped3A_74, %dma_wait3A_82] : memref<160x128xi32, #tpu.memory_space<vmem>> -> memref<1x128xi32, #tpu.memory_space<vmem>>
        %dma_wait3A_84 = tpu.memref_squeeze %dma_wait3A_83 : memref<1x128xi32, #tpu.memory_space<vmem>> -> memref<128xi32, #tpu.memory_space<vmem>>
        %dma_wait3A_85 = arith.constant 0 : i32
        %dma_wait3A_86 = arith.constant 0 : i32
        %dma_wait3A_87 = tpu.memref_slice %arg19[%dma_wait3A_85, %dma_wait3A_86] : memref<10112x16xf32, #tpu.memory_space<vmem_shared>> -> memref<10112x16xf32, #tpu.memory_space<vmem_shared>>
        tpu.wait_indirect_dma semaphore(%run_scoped3A_75 : memref<!tpu.dma_semaphore, #tpu.memory_space<semaphore_mem>>) src(%arg17 : memref<128x16xf32, #tpu.memory_space<vmem>>) dst(%dma_wait3A_87 : memref<10112x16xf32, #tpu.memory_space<vmem_shared>>)
        tpu.yield
      }) : () -> ()
    } else {
    }
    %eq3A_3 = arith.constant 1 : i32
    %eq3A_4 = arith.cmpi eq, %arg0, %eq3A_3 : i32
    %convert_element_type3A_5 = arith.extui %eq3A_4 : i1 to i32
    %cond3A_6 = arith.constant 0 : i32
    %cond3A_7 = arith.cmpi ne, %convert_element_type3A_5, %cond3A_6 : i32
    scf.if %cond3A_7 {
      %dma_start3A = arith.constant 0 : i32
      %dma_start3A_9 = arith.constant 0 : i32
      %dma_start3A_10 = tpu.memref_slice %arg11[%dma_start3A, %dma_start3A_9] : memref<160x128xi32, #tpu.memory_space<vmem>> -> memref<1x128xi32, #tpu.memory_space<vmem>>
      %dma_start3A_11 = tpu.memref_squeeze %dma_start3A_10 : memref<1x128xi32, #tpu.memory_space<vmem>> -> memref<128xi32, #tpu.memory_space<vmem>>
      %dma_start3A_12 = arith.constant 0 : i32
      %dma_start3A_13 = arith.constant 0 : i32
      %dma_start3A_14 = tpu.memref_slice %arg3[%dma_start3A_12, %dma_start3A_13] : memref<10000x64xf32, #tpu.memory_space<hbm>> -> memref<10000x64xf32, #tpu.memory_space<hbm>>
      tpu.enqueue_indirect_dma source(%dma_start3A_14 : memref<10000x64xf32, #tpu.memory_space<hbm>>) target(%arg13 : memref<128x64xf32, #tpu.memory_space<vmem>>) offsets(%dma_start3A_11 : memref<128xi32, #tpu.memory_space<vmem>>) semaphore(%arg20 : memref<!tpu.dma_semaphore, #tpu.memory_space<semaphore_mem>>)
      %dma_start3A_15 = arith.constant 1 : i32
      %dma_start3A_16 = arith.constant 0 : i32
      %dma_start3A_17 = tpu.memref_slice %arg11[%dma_start3A_15, %dma_start3A_16] : memref<160x128xi32, #tpu.memory_space<vmem>> -> memref<1x128xi32, #tpu.memory_space<vmem>>
      %dma_start3A_18 = tpu.memref_squeeze %dma_start3A_17 : memref<1x128xi32, #tpu.memory_space<vmem>> -> memref<128xi32, #tpu.memory_space<vmem>>
      %dma_start3A_19 = arith.constant 0 : i32
      %dma_start3A_20 = arith.constant 0 : i32
      %dma_start3A_21 = tpu.memref_slice %arg3[%dma_start3A_19, %dma_start3A_20] : memref<10000x64xf32, #tpu.memory_space<hbm>> -> memref<10000x64xf32, #tpu.memory_space<hbm>>
      tpu.enqueue_indirect_dma source(%dma_start3A_21 : memref<10000x64xf32, #tpu.memory_space<hbm>>) target(%arg14 : memref<128x64xf32, #tpu.memory_space<vmem>>) offsets(%dma_start3A_18 : memref<128xi32, #tpu.memory_space<vmem>>) semaphore(%arg21 : memref<!tpu.dma_semaphore, #tpu.memory_space<semaphore_mem>>)
      %dma_start3A_22 = arith.constant 2 : i32
      %dma_start3A_23 = arith.constant 0 : i32
      %dma_start3A_24 = tpu.memref_slice %arg11[%dma_start3A_22, %dma_start3A_23] : memref<160x128xi32, #tpu.memory_space<vmem>> -> memref<1x128xi32, #tpu.memory_space<vmem>>
      %dma_start3A_25 = tpu.memref_squeeze %dma_start3A_24 : memref<1x128xi32, #tpu.memory_space<vmem>> -> memref<128xi32, #tpu.memory_space<vmem>>
      %dma_start3A_26 = arith.constant 0 : i32
      %dma_start3A_27 = arith.constant 0 : i32
      %dma_start3A_28 = tpu.memref_slice %arg3[%dma_start3A_26, %dma_start3A_27] : memref<10000x64xf32, #tpu.memory_space<hbm>> -> memref<10000x64xf32, #tpu.memory_space<hbm>>
      tpu.enqueue_indirect_dma source(%dma_start3A_28 : memref<10000x64xf32, #tpu.memory_space<hbm>>) target(%arg15 : memref<128x64xf32, #tpu.memory_space<vmem>>) offsets(%dma_start3A_25 : memref<128xi32, #tpu.memory_space<vmem>>) semaphore(%arg22 : memref<!tpu.dma_semaphore, #tpu.memory_space<semaphore_mem>>)
      %dma_start3A_29 = arith.constant 3 : i32
      %dma_start3A_30 = arith.constant 0 : i32
      %dma_start3A_31 = tpu.memref_slice %arg11[%dma_start3A_29, %dma_start3A_30] : memref<160x128xi32, #tpu.memory_space<vmem>> -> memref<1x128xi32, #tpu.memory_space<vmem>>
      %dma_start3A_32 = tpu.memref_squeeze %dma_start3A_31 : memref<1x128xi32, #tpu.memory_space<vmem>> -> memref<128xi32, #tpu.memory_space<vmem>>
      %dma_start3A_33 = arith.constant 0 : i32
      %dma_start3A_34 = arith.constant 0 : i32
      %dma_start3A_35 = tpu.memref_slice %arg3[%dma_start3A_33, %dma_start3A_34] : memref<10000x64xf32, #tpu.memory_space<hbm>> -> memref<10000x64xf32, #tpu.memory_space<hbm>>
      tpu.enqueue_indirect_dma source(%dma_start3A_35 : memref<10000x64xf32, #tpu.memory_space<hbm>>) target(%arg16 : memref<128x64xf32, #tpu.memory_space<vmem>>) offsets(%dma_start3A_32 : memref<128xi32, #tpu.memory_space<vmem>>) semaphore(%arg23 : memref<!tpu.dma_semaphore, #tpu.memory_space<semaphore_mem>>)
      %scan3A = arith.constant 0 : i32
      %scan3A_36 = arith.constant 0 : i32
      %scan3A_37 = arith.constant 39 : i32
      %scan3A_38 = arith.addi %scan3A_36, %scan3A_37 : i32
      %scan3A_39 = arith.constant 1 : i32
      scf.for %scan3A_75 = %scan3A_36 to %scan3A_38 step %scan3A_39  : i32 {
        %mul3A_76 = arith.constant 4 : i32
        %mul3A_77 = arith.muli %scan3A_75, %mul3A_76 : i32
        %add3A = arith.constant 0 : i32
        %add3A_78 = arith.addi %mul3A_77, %add3A : i32
        %dma_wait3A_79 = arith.constant 0 : i32
        %dma_wait3A_80 = tpu.memref_slice %arg11[%add3A_78, %dma_wait3A_79] : memref<160x128xi32, #tpu.memory_space<vmem>> -> memref<1x128xi32, #tpu.memory_space<vmem>>
        %dma_wait3A_81 = tpu.memref_squeeze %dma_wait3A_80 : memref<1x128xi32, #tpu.memory_space<vmem>> -> memref<128xi32, #tpu.memory_space<vmem>>
        %dma_wait3A_82 = arith.constant 0 : i32
        %dma_wait3A_83 = arith.constant 0 : i32
        %dma_wait3A_84 = tpu.memref_slice %arg3[%dma_wait3A_82, %dma_wait3A_83] : memref<10000x64xf32, #tpu.memory_space<hbm>> -> memref<10000x64xf32, #tpu.memory_space<hbm>>
        tpu.wait_indirect_dma semaphore(%arg20 : memref<!tpu.dma_semaphore, #tpu.memory_space<semaphore_mem>>) src(%dma_wait3A_84 : memref<10000x64xf32, #tpu.memory_space<hbm>>) dst(%arg13 : memref<128x64xf32, #tpu.memory_space<vmem>>)
        "tpu.region"() ({
          %run_scoped3A_147 = tpu.sem_alloc : memref<!tpu.dma_semaphore, #tpu.memory_space<semaphore_mem>>
          %dma_start3A_148 = arith.constant 0 : i32
          %dma_start3A_149 = tpu.memref_slice %arg12[%add3A_78, %dma_start3A_148] : memref<160x128xi32, #tpu.memory_space<vmem>> -> memref<1x128xi32, #tpu.memory_space<vmem>>
          %dma_start3A_150 = tpu.memref_squeeze %dma_start3A_149 : memref<1x128xi32, #tpu.memory_space<vmem>> -> memref<128xi32, #tpu.memory_space<vmem>>
          %dma_start3A_151 = arith.constant 0 : i32
          %dma_start3A_152 = arith.constant 0 : i32
          %dma_start3A_153 = tpu.memref_slice %arg18[%dma_start3A_151, %dma_start3A_152] : memref<10112x64xf32, #tpu.memory_space<vmem_shared>> -> memref<10112x64xf32, #tpu.memory_space<vmem_shared>>
          tpu.enqueue_indirect_dma source(%arg13 : memref<128x64xf32, #tpu.memory_space<vmem>>) target(%dma_start3A_153 : memref<10112x64xf32, #tpu.memory_space<vmem_shared>>) offsets(%dma_start3A_150 : memref<128xi32, #tpu.memory_space<vmem>>) semaphore(%run_scoped3A_147 : memref<!tpu.dma_semaphore, #tpu.memory_space<semaphore_mem>>) {add = true}
          %dma_wait3A_154 = arith.constant 0 : i32
          %dma_wait3A_155 = tpu.memref_slice %arg12[%add3A_78, %dma_wait3A_154] : memref<160x128xi32, #tpu.memory_space<vmem>> -> memref<1x128xi32, #tpu.memory_space<vmem>>
          %dma_wait3A_156 = tpu.memref_squeeze %dma_wait3A_155 : memref<1x128xi32, #tpu.memory_space<vmem>> -> memref<128xi32, #tpu.memory_space<vmem>>
          %dma_wait3A_157 = arith.constant 0 : i32
          %dma_wait3A_158 = arith.constant 0 : i32
          %dma_wait3A_159 = tpu.memref_slice %arg18[%dma_wait3A_157, %dma_wait3A_158] : memref<10112x64xf32, #tpu.memory_space<vmem_shared>> -> memref<10112x64xf32, #tpu.memory_space<vmem_shared>>
          tpu.wait_indirect_dma semaphore(%run_scoped3A_147 : memref<!tpu.dma_semaphore, #tpu.memory_space<semaphore_mem>>) src(%arg13 : memref<128x64xf32, #tpu.memory_space<vmem>>) dst(%dma_wait3A_159 : memref<10112x64xf32, #tpu.memory_space<vmem_shared>>)
          tpu.yield
        }) : () -> ()
        "tpu.region"() ({
          %run_scoped3A_147 = tpu.sem_alloc : memref<!tpu.dma_semaphore, #tpu.memory_space<semaphore_mem>>
          %dma_start3A_148 = arith.constant 0 : i32
          %dma_start3A_149 = tpu.memref_slice %arg12[%add3A_78, %dma_start3A_148] : memref<160x128xi32, #tpu.memory_space<vmem>> -> memref<1x128xi32, #tpu.memory_space<vmem>>
          %dma_start3A_150 = tpu.memref_squeeze %dma_start3A_149 : memref<1x128xi32, #tpu.memory_space<vmem>> -> memref<128xi32, #tpu.memory_space<vmem>>
          %dma_start3A_151 = arith.constant 0 : i32
          %dma_start3A_152 = arith.constant 0 : i32
          %dma_start3A_153 = tpu.memref_slice %arg19[%dma_start3A_151, %dma_start3A_152] : memref<10112x16xf32, #tpu.memory_space<vmem_shared>> -> memref<10112x16xf32, #tpu.memory_space<vmem_shared>>
          tpu.enqueue_indirect_dma source(%arg17 : memref<128x16xf32, #tpu.memory_space<vmem>>) target(%dma_start3A_153 : memref<10112x16xf32, #tpu.memory_space<vmem_shared>>) offsets(%dma_start3A_150 : memref<128xi32, #tpu.memory_space<vmem>>) semaphore(%run_scoped3A_147 : memref<!tpu.dma_semaphore, #tpu.memory_space<semaphore_mem>>) {add = true}
          %dma_wait3A_154 = arith.constant 0 : i32
          %dma_wait3A_155 = tpu.memref_slice %arg12[%add3A_78, %dma_wait3A_154] : memref<160x128xi32, #tpu.memory_space<vmem>> -> memref<1x128xi32, #tpu.memory_space<vmem>>
          %dma_wait3A_156 = tpu.memref_squeeze %dma_wait3A_155 : memref<1x128xi32, #tpu.memory_space<vmem>> -> memref<128xi32, #tpu.memory_space<vmem>>
          %dma_wait3A_157 = arith.constant 0 : i32
          %dma_wait3A_158 = arith.constant 0 : i32
          %dma_wait3A_159 = tpu.memref_slice %arg19[%dma_wait3A_157, %dma_wait3A_158] : memref<10112x16xf32, #tpu.memory_space<vmem_shared>> -> memref<10112x16xf32, #tpu.memory_space<vmem_shared>>
          tpu.wait_indirect_dma semaphore(%run_scoped3A_147 : memref<!tpu.dma_semaphore, #tpu.memory_space<semaphore_mem>>) src(%arg17 : memref<128x16xf32, #tpu.memory_space<vmem>>) dst(%dma_wait3A_159 : memref<10112x16xf32, #tpu.memory_space<vmem_shared>>)
          tpu.yield
        }) : () -> ()
        %add3A_85 = arith.constant 4 : i32
        %add3A_86 = arith.addi %add3A_78, %add3A_85 : i32
        %dma_start3A_87 = arith.constant 0 : i32
        %dma_start3A_88 = tpu.memref_slice %arg11[%add3A_86, %dma_start3A_87] : memref<160x128xi32, #tpu.memory_space<vmem>> -> memref<1x128xi32, #tpu.memory_space<vmem>>
        %dma_start3A_89 = tpu.memref_squeeze %dma_start3A_88 : memref<1x128xi32, #tpu.memory_space<vmem>> -> memref<128xi32, #tpu.memory_space<vmem>>
        %dma_start3A_90 = arith.constant 0 : i32
        %dma_start3A_91 = arith.constant 0 : i32
        %dma_start3A_92 = tpu.memref_slice %arg3[%dma_start3A_90, %dma_start3A_91] : memref<10000x64xf32, #tpu.memory_space<hbm>> -> memref<10000x64xf32, #tpu.memory_space<hbm>>
        tpu.enqueue_indirect_dma source(%dma_start3A_92 : memref<10000x64xf32, #tpu.memory_space<hbm>>) target(%arg13 : memref<128x64xf32, #tpu.memory_space<vmem>>) offsets(%dma_start3A_89 : memref<128xi32, #tpu.memory_space<vmem>>) semaphore(%arg20 : memref<!tpu.dma_semaphore, #tpu.memory_space<semaphore_mem>>)
        %mul3A_93 = arith.constant 4 : i32
        %mul3A_94 = arith.muli %scan3A_75, %mul3A_93 : i32
        %add3A_95 = arith.constant 1 : i32
        %add3A_96 = arith.addi %mul3A_94, %add3A_95 : i32
        %dma_wait3A_97 = arith.constant 0 : i32
        %dma_wait3A_98 = tpu.memref_slice %arg11[%add3A_96, %dma_wait3A_97] : memref<160x128xi32, #tpu.memory_space<vmem>> -> memref<1x128xi32, #tpu.memory_space<vmem>>
        %dma_wait3A_99 = tpu.memref_squeeze %dma_wait3A_98 : memref<1x128xi32, #tpu.memory_space<vmem>> -> memref<128xi32, #tpu.memory_space<vmem>>
        %dma_wait3A_100 = arith.constant 0 : i32
        %dma_wait3A_101 = arith.constant 0 : i32
        %dma_wait3A_102 = tpu.memref_slice %arg3[%dma_wait3A_100, %dma_wait3A_101] : memref<10000x64xf32, #tpu.memory_space<hbm>> -> memref<10000x64xf32, #tpu.memory_space<hbm>>
        tpu.wait_indirect_dma semaphore(%arg21 : memref<!tpu.dma_semaphore, #tpu.memory_space<semaphore_mem>>) src(%dma_wait3A_102 : memref<10000x64xf32, #tpu.memory_space<hbm>>) dst(%arg14 : memref<128x64xf32, #tpu.memory_space<vmem>>)
        "tpu.region"() ({
          %run_scoped3A_147 = tpu.sem_alloc : memref<!tpu.dma_semaphore, #tpu.memory_space<semaphore_mem>>
          %dma_start3A_148 = arith.constant 0 : i32
          %dma_start3A_149 = tpu.memref_slice %arg12[%add3A_96, %dma_start3A_148] : memref<160x128xi32, #tpu.memory_space<vmem>> -> memref<1x128xi32, #tpu.memory_space<vmem>>
          %dma_start3A_150 = tpu.memref_squeeze %dma_start3A_149 : memref<1x128xi32, #tpu.memory_space<vmem>> -> memref<128xi32, #tpu.memory_space<vmem>>
          %dma_start3A_151 = arith.constant 0 : i32
          %dma_start3A_152 = arith.constant 0 : i32
          %dma_start3A_153 = tpu.memref_slice %arg18[%dma_start3A_151, %dma_start3A_152] : memref<10112x64xf32, #tpu.memory_space<vmem_shared>> -> memref<10112x64xf32, #tpu.memory_space<vmem_shared>>
          tpu.enqueue_indirect_dma source(%arg14 : memref<128x64xf32, #tpu.memory_space<vmem>>) target(%dma_start3A_153 : memref<10112x64xf32, #tpu.memory_space<vmem_shared>>) offsets(%dma_start3A_150 : memref<128xi32, #tpu.memory_space<vmem>>) semaphore(%run_scoped3A_147 : memref<!tpu.dma_semaphore, #tpu.memory_space<semaphore_mem>>) {add = true}
          %dma_wait3A_154 = arith.constant 0 : i32
          %dma_wait3A_155 = tpu.memref_slice %arg12[%add3A_96, %dma_wait3A_154] : memref<160x128xi32, #tpu.memory_space<vmem>> -> memref<1x128xi32, #tpu.memory_space<vmem>>
          %dma_wait3A_156 = tpu.memref_squeeze %dma_wait3A_155 : memref<1x128xi32, #tpu.memory_space<vmem>> -> memref<128xi32, #tpu.memory_space<vmem>>
          %dma_wait3A_157 = arith.constant 0 : i32
          %dma_wait3A_158 = arith.constant 0 : i32
          %dma_wait3A_159 = tpu.memref_slice %arg18[%dma_wait3A_157, %dma_wait3A_158] : memref<10112x64xf32, #tpu.memory_space<vmem_shared>> -> memref<10112x64xf32, #tpu.memory_space<vmem_shared>>
          tpu.wait_indirect_dma semaphore(%run_scoped3A_147 : memref<!tpu.dma_semaphore, #tpu.memory_space<semaphore_mem>>) src(%arg14 : memref<128x64xf32, #tpu.memory_space<vmem>>) dst(%dma_wait3A_159 : memref<10112x64xf32, #tpu.memory_space<vmem_shared>>)
          tpu.yield
        }) : () -> ()
        "tpu.region"() ({
          %run_scoped3A_147 = tpu.sem_alloc : memref<!tpu.dma_semaphore, #tpu.memory_space<semaphore_mem>>
          %dma_start3A_148 = arith.constant 0 : i32
          %dma_start3A_149 = tpu.memref_slice %arg12[%add3A_96, %dma_start3A_148] : memref<160x128xi32, #tpu.memory_space<vmem>> -> memref<1x128xi32, #tpu.memory_space<vmem>>
          %dma_start3A_150 = tpu.memref_squeeze %dma_start3A_149 : memref<1x128xi32, #tpu.memory_space<vmem>> -> memref<128xi32, #tpu.memory_space<vmem>>
          %dma_start3A_151 = arith.constant 0 : i32
          %dma_start3A_152 = arith.constant 0 : i32
          %dma_start3A_153 = tpu.memref_slice %arg19[%dma_start3A_151, %dma_start3A_152] : memref<10112x16xf32, #tpu.memory_space<vmem_shared>> -> memref<10112x16xf32, #tpu.memory_space<vmem_shared>>
          tpu.enqueue_indirect_dma source(%arg17 : memref<128x16xf32, #tpu.memory_space<vmem>>) target(%dma_start3A_153 : memref<10112x16xf32, #tpu.memory_space<vmem_shared>>) offsets(%dma_start3A_150 : memref<128xi32, #tpu.memory_space<vmem>>) semaphore(%run_scoped3A_147 : memref<!tpu.dma_semaphore, #tpu.memory_space<semaphore_mem>>) {add = true}
          %dma_wait3A_154 = arith.constant 0 : i32
          %dma_wait3A_155 = tpu.memref_slice %arg12[%add3A_96, %dma_wait3A_154] : memref<160x128xi32, #tpu.memory_space<vmem>> -> memref<1x128xi32, #tpu.memory_space<vmem>>
          %dma_wait3A_156 = tpu.memref_squeeze %dma_wait3A_155 : memref<1x128xi32, #tpu.memory_space<vmem>> -> memref<128xi32, #tpu.memory_space<vmem>>
          %dma_wait3A_157 = arith.constant 0 : i32
          %dma_wait3A_158 = arith.constant 0 : i32
          %dma_wait3A_159 = tpu.memref_slice %arg19[%dma_wait3A_157, %dma_wait3A_158] : memref<10112x16xf32, #tpu.memory_space<vmem_shared>> -> memref<10112x16xf32, #tpu.memory_space<vmem_shared>>
          tpu.wait_indirect_dma semaphore(%run_scoped3A_147 : memref<!tpu.dma_semaphore, #tpu.memory_space<semaphore_mem>>) src(%arg17 : memref<128x16xf32, #tpu.memory_space<vmem>>) dst(%dma_wait3A_159 : memref<10112x16xf32, #tpu.memory_space<vmem_shared>>)
          tpu.yield
        }) : () -> ()
        %add3A_103 = arith.constant 4 : i32
        %add3A_104 = arith.addi %add3A_96, %add3A_103 : i32
        %dma_start3A_105 = arith.constant 0 : i32
        %dma_start3A_106 = tpu.memref_slice %arg11[%add3A_104, %dma_start3A_105] : memref<160x128xi32, #tpu.memory_space<vmem>> -> memref<1x128xi32, #tpu.memory_space<vmem>>
        %dma_start3A_107 = tpu.memref_squeeze %dma_start3A_106 : memref<1x128xi32, #tpu.memory_space<vmem>> -> memref<128xi32, #tpu.memory_space<vmem>>
        %dma_start3A_108 = arith.constant 0 : i32
        %dma_start3A_109 = arith.constant 0 : i32
        %dma_start3A_110 = tpu.memref_slice %arg3[%dma_start3A_108, %dma_start3A_109] : memref<10000x64xf32, #tpu.memory_space<hbm>> -> memref<10000x64xf32, #tpu.memory_space<hbm>>
        tpu.enqueue_indirect_dma source(%dma_start3A_110 : memref<10000x64xf32, #tpu.memory_space<hbm>>) target(%arg14 : memref<128x64xf32, #tpu.memory_space<vmem>>) offsets(%dma_start3A_107 : memref<128xi32, #tpu.memory_space<vmem>>) semaphore(%arg21 : memref<!tpu.dma_semaphore, #tpu.memory_space<semaphore_mem>>)
        %mul3A_111 = arith.constant 4 : i32
        %mul3A_112 = arith.muli %scan3A_75, %mul3A_111 : i32
        %add3A_113 = arith.constant 2 : i32
        %add3A_114 = arith.addi %mul3A_112, %add3A_113 : i32
        %dma_wait3A_115 = arith.constant 0 : i32
        %dma_wait3A_116 = tpu.memref_slice %arg11[%add3A_114, %dma_wait3A_115] : memref<160x128xi32, #tpu.memory_space<vmem>> -> memref<1x128xi32, #tpu.memory_space<vmem>>
        %dma_wait3A_117 = tpu.memref_squeeze %dma_wait3A_116 : memref<1x128xi32, #tpu.memory_space<vmem>> -> memref<128xi32, #tpu.memory_space<vmem>>
        %dma_wait3A_118 = arith.constant 0 : i32
        %dma_wait3A_119 = arith.constant 0 : i32
        %dma_wait3A_120 = tpu.memref_slice %arg3[%dma_wait3A_118, %dma_wait3A_119] : memref<10000x64xf32, #tpu.memory_space<hbm>> -> memref<10000x64xf32, #tpu.memory_space<hbm>>
        tpu.wait_indirect_dma semaphore(%arg22 : memref<!tpu.dma_semaphore, #tpu.memory_space<semaphore_mem>>) src(%dma_wait3A_120 : memref<10000x64xf32, #tpu.memory_space<hbm>>) dst(%arg15 : memref<128x64xf32, #tpu.memory_space<vmem>>)
        "tpu.region"() ({
          %run_scoped3A_147 = tpu.sem_alloc : memref<!tpu.dma_semaphore, #tpu.memory_space<semaphore_mem>>
          %dma_start3A_148 = arith.constant 0 : i32
          %dma_start3A_149 = tpu.memref_slice %arg12[%add3A_114, %dma_start3A_148] : memref<160x128xi32, #tpu.memory_space<vmem>> -> memref<1x128xi32, #tpu.memory_space<vmem>>
          %dma_start3A_150 = tpu.memref_squeeze %dma_start3A_149 : memref<1x128xi32, #tpu.memory_space<vmem>> -> memref<128xi32, #tpu.memory_space<vmem>>
          %dma_start3A_151 = arith.constant 0 : i32
          %dma_start3A_152 = arith.constant 0 : i32
          %dma_start3A_153 = tpu.memref_slice %arg18[%dma_start3A_151, %dma_start3A_152] : memref<10112x64xf32, #tpu.memory_space<vmem_shared>> -> memref<10112x64xf32, #tpu.memory_space<vmem_shared>>
          tpu.enqueue_indirect_dma source(%arg15 : memref<128x64xf32, #tpu.memory_space<vmem>>) target(%dma_start3A_153 : memref<10112x64xf32, #tpu.memory_space<vmem_shared>>) offsets(%dma_start3A_150 : memref<128xi32, #tpu.memory_space<vmem>>) semaphore(%run_scoped3A_147 : memref<!tpu.dma_semaphore, #tpu.memory_space<semaphore_mem>>) {add = true}
          %dma_wait3A_154 = arith.constant 0 : i32
          %dma_wait3A_155 = tpu.memref_slice %arg12[%add3A_114, %dma_wait3A_154] : memref<160x128xi32, #tpu.memory_space<vmem>> -> memref<1x128xi32, #tpu.memory_space<vmem>>
          %dma_wait3A_156 = tpu.memref_squeeze %dma_wait3A_155 : memref<1x128xi32, #tpu.memory_space<vmem>> -> memref<128xi32, #tpu.memory_space<vmem>>
          %dma_wait3A_157 = arith.constant 0 : i32
          %dma_wait3A_158 = arith.constant 0 : i32
          %dma_wait3A_159 = tpu.memref_slice %arg18[%dma_wait3A_157, %dma_wait3A_158] : memref<10112x64xf32, #tpu.memory_space<vmem_shared>> -> memref<10112x64xf32, #tpu.memory_space<vmem_shared>>
          tpu.wait_indirect_dma semaphore(%run_scoped3A_147 : memref<!tpu.dma_semaphore, #tpu.memory_space<semaphore_mem>>) src(%arg15 : memref<128x64xf32, #tpu.memory_space<vmem>>) dst(%dma_wait3A_159 : memref<10112x64xf32, #tpu.memory_space<vmem_shared>>)
          tpu.yield
        }) : () -> ()
        "tpu.region"() ({
          %run_scoped3A_147 = tpu.sem_alloc : memref<!tpu.dma_semaphore, #tpu.memory_space<semaphore_mem>>
          %dma_start3A_148 = arith.constant 0 : i32
          %dma_start3A_149 = tpu.memref_slice %arg12[%add3A_114, %dma_start3A_148] : memref<160x128xi32, #tpu.memory_space<vmem>> -> memref<1x128xi32, #tpu.memory_space<vmem>>
          %dma_start3A_150 = tpu.memref_squeeze %dma_start3A_149 : memref<1x128xi32, #tpu.memory_space<vmem>> -> memref<128xi32, #tpu.memory_space<vmem>>
          %dma_start3A_151 = arith.constant 0 : i32
          %dma_start3A_152 = arith.constant 0 : i32
          %dma_start3A_153 = tpu.memref_slice %arg19[%dma_start3A_151, %dma_start3A_152] : memref<10112x16xf32, #tpu.memory_space<vmem_shared>> -> memref<10112x16xf32, #tpu.memory_space<vmem_shared>>
          tpu.enqueue_indirect_dma source(%arg17 : memref<128x16xf32, #tpu.memory_space<vmem>>) target(%dma_start3A_153 : memref<10112x16xf32, #tpu.memory_space<vmem_shared>>) offsets(%dma_start3A_150 : memref<128xi32, #tpu.memory_space<vmem>>) semaphore(%run_scoped3A_147 : memref<!tpu.dma_semaphore, #tpu.memory_space<semaphore_mem>>) {add = true}
          %dma_wait3A_154 = arith.constant 0 : i32
          %dma_wait3A_155 = tpu.memref_slice %arg12[%add3A_114, %dma_wait3A_154] : memref<160x128xi32, #tpu.memory_space<vmem>> -> memref<1x128xi32, #tpu.memory_space<vmem>>
          %dma_wait3A_156 = tpu.memref_squeeze %dma_wait3A_155 : memref<1x128xi32, #tpu.memory_space<vmem>> -> memref<128xi32, #tpu.memory_space<vmem>>
          %dma_wait3A_157 = arith.constant 0 : i32
          %dma_wait3A_158 = arith.constant 0 : i32
          %dma_wait3A_159 = tpu.memref_slice %arg19[%dma_wait3A_157, %dma_wait3A_158] : memref<10112x16xf32, #tpu.memory_space<vmem_shared>> -> memref<10112x16xf32, #tpu.memory_space<vmem_shared>>
          tpu.wait_indirect_dma semaphore(%run_scoped3A_147 : memref<!tpu.dma_semaphore, #tpu.memory_space<semaphore_mem>>) src(%arg17 : memref<128x16xf32, #tpu.memory_space<vmem>>) dst(%dma_wait3A_159 : memref<10112x16xf32, #tpu.memory_space<vmem_shared>>)
          tpu.yield
        }) : () -> ()
        %add3A_121 = arith.constant 4 : i32
        %add3A_122 = arith.addi %add3A_114, %add3A_121 : i32
        %dma_start3A_123 = arith.constant 0 : i32
        %dma_start3A_124 = tpu.memref_slice %arg11[%add3A_122, %dma_start3A_123] : memref<160x128xi32, #tpu.memory_space<vmem>> -> memref<1x128xi32, #tpu.memory_space<vmem>>
        %dma_start3A_125 = tpu.memref_squeeze %dma_start3A_124 : memref<1x128xi32, #tpu.memory_space<vmem>> -> memref<128xi32, #tpu.memory_space<vmem>>
        %dma_start3A_126 = arith.constant 0 : i32
        %dma_start3A_127 = arith.constant 0 : i32
        %dma_start3A_128 = tpu.memref_slice %arg3[%dma_start3A_126, %dma_start3A_127] : memref<10000x64xf32, #tpu.memory_space<hbm>> -> memref<10000x64xf32, #tpu.memory_space<hbm>>
        tpu.enqueue_indirect_dma source(%dma_start3A_128 : memref<10000x64xf32, #tpu.memory_space<hbm>>) target(%arg15 : memref<128x64xf32, #tpu.memory_space<vmem>>) offsets(%dma_start3A_125 : memref<128xi32, #tpu.memory_space<vmem>>) semaphore(%arg22 : memref<!tpu.dma_semaphore, #tpu.memory_space<semaphore_mem>>)
        %mul3A_129 = arith.constant 4 : i32
        %mul3A_130 = arith.muli %scan3A_75, %mul3A_129 : i32
        %add3A_131 = arith.constant 3 : i32
        %add3A_132 = arith.addi %mul3A_130, %add3A_131 : i32
        %dma_wait3A_133 = arith.constant 0 : i32
        %dma_wait3A_134 = tpu.memref_slice %arg11[%add3A_132, %dma_wait3A_133] : memref<160x128xi32, #tpu.memory_space<vmem>> -> memref<1x128xi32, #tpu.memory_space<vmem>>
        %dma_wait3A_135 = tpu.memref_squeeze %dma_wait3A_134 : memref<1x128xi32, #tpu.memory_space<vmem>> -> memref<128xi32, #tpu.memory_space<vmem>>
        %dma_wait3A_136 = arith.constant 0 : i32
        %dma_wait3A_137 = arith.constant 0 : i32
        %dma_wait3A_138 = tpu.memref_slice %arg3[%dma_wait3A_136, %dma_wait3A_137] : memref<10000x64xf32, #tpu.memory_space<hbm>> -> memref<10000x64xf32, #tpu.memory_space<hbm>>
        tpu.wait_indirect_dma semaphore(%arg23 : memref<!tpu.dma_semaphore, #tpu.memory_space<semaphore_mem>>) src(%dma_wait3A_138 : memref<10000x64xf32, #tpu.memory_space<hbm>>) dst(%arg16 : memref<128x64xf32, #tpu.memory_space<vmem>>)
        "tpu.region"() ({
          %run_scoped3A_147 = tpu.sem_alloc : memref<!tpu.dma_semaphore, #tpu.memory_space<semaphore_mem>>
          %dma_start3A_148 = arith.constant 0 : i32
          %dma_start3A_149 = tpu.memref_slice %arg12[%add3A_132, %dma_start3A_148] : memref<160x128xi32, #tpu.memory_space<vmem>> -> memref<1x128xi32, #tpu.memory_space<vmem>>
          %dma_start3A_150 = tpu.memref_squeeze %dma_start3A_149 : memref<1x128xi32, #tpu.memory_space<vmem>> -> memref<128xi32, #tpu.memory_space<vmem>>
          %dma_start3A_151 = arith.constant 0 : i32
          %dma_start3A_152 = arith.constant 0 : i32
          %dma_start3A_153 = tpu.memref_slice %arg18[%dma_start3A_151, %dma_start3A_152] : memref<10112x64xf32, #tpu.memory_space<vmem_shared>> -> memref<10112x64xf32, #tpu.memory_space<vmem_shared>>
          tpu.enqueue_indirect_dma source(%arg16 : memref<128x64xf32, #tpu.memory_space<vmem>>) target(%dma_start3A_153 : memref<10112x64xf32, #tpu.memory_space<vmem_shared>>) offsets(%dma_start3A_150 : memref<128xi32, #tpu.memory_space<vmem>>) semaphore(%run_scoped3A_147 : memref<!tpu.dma_semaphore, #tpu.memory_space<semaphore_mem>>) {add = true}
          %dma_wait3A_154 = arith.constant 0 : i32
          %dma_wait3A_155 = tpu.memref_slice %arg12[%add3A_132, %dma_wait3A_154] : memref<160x128xi32, #tpu.memory_space<vmem>> -> memref<1x128xi32, #tpu.memory_space<vmem>>
          %dma_wait3A_156 = tpu.memref_squeeze %dma_wait3A_155 : memref<1x128xi32, #tpu.memory_space<vmem>> -> memref<128xi32, #tpu.memory_space<vmem>>
          %dma_wait3A_157 = arith.constant 0 : i32
          %dma_wait3A_158 = arith.constant 0 : i32
          %dma_wait3A_159 = tpu.memref_slice %arg18[%dma_wait3A_157, %dma_wait3A_158] : memref<10112x64xf32, #tpu.memory_space<vmem_shared>> -> memref<10112x64xf32, #tpu.memory_space<vmem_shared>>
          tpu.wait_indirect_dma semaphore(%run_scoped3A_147 : memref<!tpu.dma_semaphore, #tpu.memory_space<semaphore_mem>>) src(%arg16 : memref<128x64xf32, #tpu.memory_space<vmem>>) dst(%dma_wait3A_159 : memref<10112x64xf32, #tpu.memory_space<vmem_shared>>)
          tpu.yield
        }) : () -> ()
        "tpu.region"() ({
          %run_scoped3A_147 = tpu.sem_alloc : memref<!tpu.dma_semaphore, #tpu.memory_space<semaphore_mem>>
          %dma_start3A_148 = arith.constant 0 : i32
          %dma_start3A_149 = tpu.memref_slice %arg12[%add3A_132, %dma_start3A_148] : memref<160x128xi32, #tpu.memory_space<vmem>> -> memref<1x128xi32, #tpu.memory_space<vmem>>
          %dma_start3A_150 = tpu.memref_squeeze %dma_start3A_149 : memref<1x128xi32, #tpu.memory_space<vmem>> -> memref<128xi32, #tpu.memory_space<vmem>>
          %dma_start3A_151 = arith.constant 0 : i32
          %dma_start3A_152 = arith.constant 0 : i32
          %dma_start3A_153 = tpu.memref_slice %arg19[%dma_start3A_151, %dma_start3A_152] : memref<10112x16xf32, #tpu.memory_space<vmem_shared>> -> memref<10112x16xf32, #tpu.memory_space<vmem_shared>>
          tpu.enqueue_indirect_dma source(%arg17 : memref<128x16xf32, #tpu.memory_space<vmem>>) target(%dma_start3A_153 : memref<10112x16xf32, #tpu.memory_space<vmem_shared>>) offsets(%dma_start3A_150 : memref<128xi32, #tpu.memory_space<vmem>>) semaphore(%run_scoped3A_147 : memref<!tpu.dma_semaphore, #tpu.memory_space<semaphore_mem>>) {add = true}
          %dma_wait3A_154 = arith.constant 0 : i32
          %dma_wait3A_155 = tpu.memref_slice %arg12[%add3A_132, %dma_wait3A_154] : memref<160x128xi32, #tpu.memory_space<vmem>> -> memref<1x128xi32, #tpu.memory_space<vmem>>
          %dma_wait3A_156 = tpu.memref_squeeze %dma_wait3A_155 : memref<1x128xi32, #tpu.memory_space<vmem>> -> memref<128xi32, #tpu.memory_space<vmem>>
          %dma_wait3A_157 = arith.constant 0 : i32
          %dma_wait3A_158 = arith.constant 0 : i32
          %dma_wait3A_159 = tpu.memref_slice %arg19[%dma_wait3A_157, %dma_wait3A_158] : memref<10112x16xf32, #tpu.memory_space<vmem_shared>> -> memref<10112x16xf32, #tpu.memory_space<vmem_shared>>
          tpu.wait_indirect_dma semaphore(%run_scoped3A_147 : memref<!tpu.dma_semaphore, #tpu.memory_space<semaphore_mem>>) src(%arg17 : memref<128x16xf32, #tpu.memory_space<vmem>>) dst(%dma_wait3A_159 : memref<10112x16xf32, #tpu.memory_space<vmem_shared>>)
          tpu.yield
        }) : () -> ()
        %add3A_139 = arith.constant 4 : i32
        %add3A_140 = arith.addi %add3A_132, %add3A_139 : i32
        %dma_start3A_141 = arith.constant 0 : i32
        %dma_start3A_142 = tpu.memref_slice %arg11[%add3A_140, %dma_start3A_141] : memref<160x128xi32, #tpu.memory_space<vmem>> -> memref<1x128xi32, #tpu.memory_space<vmem>>
        %dma_start3A_143 = tpu.memref_squeeze %dma_start3A_142 : memref<1x128xi32, #tpu.memory_space<vmem>> -> memref<128xi32, #tpu.memory_space<vmem>>
        %dma_start3A_144 = arith.constant 0 : i32
        %dma_start3A_145 = arith.constant 0 : i32
        %dma_start3A_146 = tpu.memref_slice %arg3[%dma_start3A_144, %dma_start3A_145] : memref<10000x64xf32, #tpu.memory_space<hbm>> -> memref<10000x64xf32, #tpu.memory_space<hbm>>
        tpu.enqueue_indirect_dma source(%dma_start3A_146 : memref<10000x64xf32, #tpu.memory_space<hbm>>) target(%arg16 : memref<128x64xf32, #tpu.memory_space<vmem>>) offsets(%dma_start3A_143 : memref<128xi32, #tpu.memory_space<vmem>>) semaphore(%arg23 : memref<!tpu.dma_semaphore, #tpu.memory_space<semaphore_mem>>)
      }
      %scan3A_40 = arith.constant 39 : i32
      %dma_wait3A = arith.constant 156 : i32
      %dma_wait3A_41 = arith.constant 0 : i32
      %dma_wait3A_42 = tpu.memref_slice %arg11[%dma_wait3A, %dma_wait3A_41] : memref<160x128xi32, #tpu.memory_space<vmem>> -> memref<1x128xi32, #tpu.memory_space<vmem>>
      %dma_wait3A_43 = tpu.memref_squeeze %dma_wait3A_42 : memref<1x128xi32, #tpu.memory_space<vmem>> -> memref<128xi32, #tpu.memory_space<vmem>>
      %dma_wait3A_44 = arith.constant 0 : i32
      %dma_wait3A_45 = arith.constant 0 : i32
      %dma_wait3A_46 = tpu.memref_slice %arg3[%dma_wait3A_44, %dma_wait3A_45] : memref<10000x64xf32, #tpu.memory_space<hbm>> -> memref<10000x64xf32, #tpu.memory_space<hbm>>
      tpu.wait_indirect_dma semaphore(%arg20 : memref<!tpu.dma_semaphore, #tpu.memory_space<semaphore_mem>>) src(%dma_wait3A_46 : memref<10000x64xf32, #tpu.memory_space<hbm>>) dst(%arg13 : memref<128x64xf32, #tpu.memory_space<vmem>>)
      %run_scoped3A = arith.constant 156 : i32
      "tpu.region"() ({
        %run_scoped3A_75 = tpu.sem_alloc : memref<!tpu.dma_semaphore, #tpu.memory_space<semaphore_mem>>
        %dma_start3A_76 = arith.constant 0 : i32
        %dma_start3A_77 = tpu.memref_slice %arg12[%run_scoped3A, %dma_start3A_76] : memref<160x128xi32, #tpu.memory_space<vmem>> -> memref<1x128xi32, #tpu.memory_space<vmem>>
        %dma_start3A_78 = tpu.memref_squeeze %dma_start3A_77 : memref<1x128xi32, #tpu.memory_space<vmem>> -> memref<128xi32, #tpu.memory_space<vmem>>
        %dma_start3A_79 = arith.constant 0 : i32
        %dma_start3A_80 = arith.constant 0 : i32
        %dma_start3A_81 = tpu.memref_slice %arg18[%dma_start3A_79, %dma_start3A_80] : memref<10112x64xf32, #tpu.memory_space<vmem_shared>> -> memref<10112x64xf32, #tpu.memory_space<vmem_shared>>
        tpu.enqueue_indirect_dma source(%arg13 : memref<128x64xf32, #tpu.memory_space<vmem>>) target(%dma_start3A_81 : memref<10112x64xf32, #tpu.memory_space<vmem_shared>>) offsets(%dma_start3A_78 : memref<128xi32, #tpu.memory_space<vmem>>) semaphore(%run_scoped3A_75 : memref<!tpu.dma_semaphore, #tpu.memory_space<semaphore_mem>>) {add = true}
        %dma_wait3A_82 = arith.constant 0 : i32
        %dma_wait3A_83 = tpu.memref_slice %arg12[%run_scoped3A, %dma_wait3A_82] : memref<160x128xi32, #tpu.memory_space<vmem>> -> memref<1x128xi32, #tpu.memory_space<vmem>>
        %dma_wait3A_84 = tpu.memref_squeeze %dma_wait3A_83 : memref<1x128xi32, #tpu.memory_space<vmem>> -> memref<128xi32, #tpu.memory_space<vmem>>
        %dma_wait3A_85 = arith.constant 0 : i32
        %dma_wait3A_86 = arith.constant 0 : i32
        %dma_wait3A_87 = tpu.memref_slice %arg18[%dma_wait3A_85, %dma_wait3A_86] : memref<10112x64xf32, #tpu.memory_space<vmem_shared>> -> memref<10112x64xf32, #tpu.memory_space<vmem_shared>>
        tpu.wait_indirect_dma semaphore(%run_scoped3A_75 : memref<!tpu.dma_semaphore, #tpu.memory_space<semaphore_mem>>) src(%arg13 : memref<128x64xf32, #tpu.memory_space<vmem>>) dst(%dma_wait3A_87 : memref<10112x64xf32, #tpu.memory_space<vmem_shared>>)
        tpu.yield
      }) : () -> ()
      %run_scoped3A_47 = arith.constant 156 : i32
      "tpu.region"() ({
        %run_scoped3A_75 = tpu.sem_alloc : memref<!tpu.dma_semaphore, #tpu.memory_space<semaphore_mem>>
        %dma_start3A_76 = arith.constant 0 : i32
        %dma_start3A_77 = tpu.memref_slice %arg12[%run_scoped3A_47, %dma_start3A_76] : memref<160x128xi32, #tpu.memory_space<vmem>> -> memref<1x128xi32, #tpu.memory_space<vmem>>
        %dma_start3A_78 = tpu.memref_squeeze %dma_start3A_77 : memref<1x128xi32, #tpu.memory_space<vmem>> -> memref<128xi32, #tpu.memory_space<vmem>>
        %dma_start3A_79 = arith.constant 0 : i32
        %dma_start3A_80 = arith.constant 0 : i32
        %dma_start3A_81 = tpu.memref_slice %arg19[%dma_start3A_79, %dma_start3A_80] : memref<10112x16xf32, #tpu.memory_space<vmem_shared>> -> memref<10112x16xf32, #tpu.memory_space<vmem_shared>>
        tpu.enqueue_indirect_dma source(%arg17 : memref<128x16xf32, #tpu.memory_space<vmem>>) target(%dma_start3A_81 : memref<10112x16xf32, #tpu.memory_space<vmem_shared>>) offsets(%dma_start3A_78 : memref<128xi32, #tpu.memory_space<vmem>>) semaphore(%run_scoped3A_75 : memref<!tpu.dma_semaphore, #tpu.memory_space<semaphore_mem>>) {add = true}
        %dma_wait3A_82 = arith.constant 0 : i32
        %dma_wait3A_83 = tpu.memref_slice %arg12[%run_scoped3A_47, %dma_wait3A_82] : memref<160x128xi32, #tpu.memory_space<vmem>> -> memref<1x128xi32, #tpu.memory_space<vmem>>
        %dma_wait3A_84 = tpu.memref_squeeze %dma_wait3A_83 : memref<1x128xi32, #tpu.memory_space<vmem>> -> memref<128xi32, #tpu.memory_space<vmem>>
        %dma_wait3A_85 = arith.constant 0 : i32
        %dma_wait3A_86 = arith.constant 0 : i32
        %dma_wait3A_87 = tpu.memref_slice %arg19[%dma_wait3A_85, %dma_wait3A_86] : memref<10112x16xf32, #tpu.memory_space<vmem_shared>> -> memref<10112x16xf32, #tpu.memory_space<vmem_shared>>
        tpu.wait_indirect_dma semaphore(%run_scoped3A_75 : memref<!tpu.dma_semaphore, #tpu.memory_space<semaphore_mem>>) src(%arg17 : memref<128x16xf32, #tpu.memory_space<vmem>>) dst(%dma_wait3A_87 : memref<10112x16xf32, #tpu.memory_space<vmem_shared>>)
        tpu.yield
      }) : () -> ()
      %dma_wait3A_48 = arith.constant 157 : i32
      %dma_wait3A_49 = arith.constant 0 : i32
      %dma_wait3A_50 = tpu.memref_slice %arg11[%dma_wait3A_48, %dma_wait3A_49] : memref<160x128xi32, #tpu.memory_space<vmem>> -> memref<1x128xi32, #tpu.memory_space<vmem>>
      %dma_wait3A_51 = tpu.memref_squeeze %dma_wait3A_50 : memref<1x128xi32, #tpu.memory_space<vmem>> -> memref<128xi32, #tpu.memory_space<vmem>>
      %dma_wait3A_52 = arith.constant 0 : i32
      %dma_wait3A_53 = arith.constant 0 : i32
      %dma_wait3A_54 = tpu.memref_slice %arg3[%dma_wait3A_52, %dma_wait3A_53] : memref<10000x64xf32, #tpu.memory_space<hbm>> -> memref<10000x64xf32, #tpu.memory_space<hbm>>
      tpu.wait_indirect_dma semaphore(%arg21 : memref<!tpu.dma_semaphore, #tpu.memory_space<semaphore_mem>>) src(%dma_wait3A_54 : memref<10000x64xf32, #tpu.memory_space<hbm>>) dst(%arg14 : memref<128x64xf32, #tpu.memory_space<vmem>>)
      %run_scoped3A_55 = arith.constant 157 : i32
      "tpu.region"() ({
        %run_scoped3A_75 = tpu.sem_alloc : memref<!tpu.dma_semaphore, #tpu.memory_space<semaphore_mem>>
        %dma_start3A_76 = arith.constant 0 : i32
        %dma_start3A_77 = tpu.memref_slice %arg12[%run_scoped3A_55, %dma_start3A_76] : memref<160x128xi32, #tpu.memory_space<vmem>> -> memref<1x128xi32, #tpu.memory_space<vmem>>
        %dma_start3A_78 = tpu.memref_squeeze %dma_start3A_77 : memref<1x128xi32, #tpu.memory_space<vmem>> -> memref<128xi32, #tpu.memory_space<vmem>>
        %dma_start3A_79 = arith.constant 0 : i32
        %dma_start3A_80 = arith.constant 0 : i32
        %dma_start3A_81 = tpu.memref_slice %arg18[%dma_start3A_79, %dma_start3A_80] : memref<10112x64xf32, #tpu.memory_space<vmem_shared>> -> memref<10112x64xf32, #tpu.memory_space<vmem_shared>>
        tpu.enqueue_indirect_dma source(%arg14 : memref<128x64xf32, #tpu.memory_space<vmem>>) target(%dma_start3A_81 : memref<10112x64xf32, #tpu.memory_space<vmem_shared>>) offsets(%dma_start3A_78 : memref<128xi32, #tpu.memory_space<vmem>>) semaphore(%run_scoped3A_75 : memref<!tpu.dma_semaphore, #tpu.memory_space<semaphore_mem>>) {add = true}
        %dma_wait3A_82 = arith.constant 0 : i32
        %dma_wait3A_83 = tpu.memref_slice %arg12[%run_scoped3A_55, %dma_wait3A_82] : memref<160x128xi32, #tpu.memory_space<vmem>> -> memref<1x128xi32, #tpu.memory_space<vmem>>
        %dma_wait3A_84 = tpu.memref_squeeze %dma_wait3A_83 : memref<1x128xi32, #tpu.memory_space<vmem>> -> memref<128xi32, #tpu.memory_space<vmem>>
        %dma_wait3A_85 = arith.constant 0 : i32
        %dma_wait3A_86 = arith.constant 0 : i32
        %dma_wait3A_87 = tpu.memref_slice %arg18[%dma_wait3A_85, %dma_wait3A_86] : memref<10112x64xf32, #tpu.memory_space<vmem_shared>> -> memref<10112x64xf32, #tpu.memory_space<vmem_shared>>
        tpu.wait_indirect_dma semaphore(%run_scoped3A_75 : memref<!tpu.dma_semaphore, #tpu.memory_space<semaphore_mem>>) src(%arg14 : memref<128x64xf32, #tpu.memory_space<vmem>>) dst(%dma_wait3A_87 : memref<10112x64xf32, #tpu.memory_space<vmem_shared>>)
        tpu.yield
      }) : () -> ()
      %run_scoped3A_56 = arith.constant 157 : i32
      "tpu.region"() ({
        %run_scoped3A_75 = tpu.sem_alloc : memref<!tpu.dma_semaphore, #tpu.memory_space<semaphore_mem>>
        %dma_start3A_76 = arith.constant 0 : i32
        %dma_start3A_77 = tpu.memref_slice %arg12[%run_scoped3A_56, %dma_start3A_76] : memref<160x128xi32, #tpu.memory_space<vmem>> -> memref<1x128xi32, #tpu.memory_space<vmem>>
        %dma_start3A_78 = tpu.memref_squeeze %dma_start3A_77 : memref<1x128xi32, #tpu.memory_space<vmem>> -> memref<128xi32, #tpu.memory_space<vmem>>
        %dma_start3A_79 = arith.constant 0 : i32
        %dma_start3A_80 = arith.constant 0 : i32
        %dma_start3A_81 = tpu.memref_slice %arg19[%dma_start3A_79, %dma_start3A_80] : memref<10112x16xf32, #tpu.memory_space<vmem_shared>> -> memref<10112x16xf32, #tpu.memory_space<vmem_shared>>
        tpu.enqueue_indirect_dma source(%arg17 : memref<128x16xf32, #tpu.memory_space<vmem>>) target(%dma_start3A_81 : memref<10112x16xf32, #tpu.memory_space<vmem_shared>>) offsets(%dma_start3A_78 : memref<128xi32, #tpu.memory_space<vmem>>) semaphore(%run_scoped3A_75 : memref<!tpu.dma_semaphore, #tpu.memory_space<semaphore_mem>>) {add = true}
        %dma_wait3A_82 = arith.constant 0 : i32
        %dma_wait3A_83 = tpu.memref_slice %arg12[%run_scoped3A_56, %dma_wait3A_82] : memref<160x128xi32, #tpu.memory_space<vmem>> -> memref<1x128xi32, #tpu.memory_space<vmem>>
        %dma_wait3A_84 = tpu.memref_squeeze %dma_wait3A_83 : memref<1x128xi32, #tpu.memory_space<vmem>> -> memref<128xi32, #tpu.memory_space<vmem>>
        %dma_wait3A_85 = arith.constant 0 : i32
        %dma_wait3A_86 = arith.constant 0 : i32
        %dma_wait3A_87 = tpu.memref_slice %arg19[%dma_wait3A_85, %dma_wait3A_86] : memref<10112x16xf32, #tpu.memory_space<vmem_shared>> -> memref<10112x16xf32, #tpu.memory_space<vmem_shared>>
        tpu.wait_indirect_dma semaphore(%run_scoped3A_75 : memref<!tpu.dma_semaphore, #tpu.memory_space<semaphore_mem>>) src(%arg17 : memref<128x16xf32, #tpu.memory_space<vmem>>) dst(%dma_wait3A_87 : memref<10112x16xf32, #tpu.memory_space<vmem_shared>>)
        tpu.yield
      }) : () -> ()
      %dma_wait3A_57 = arith.constant 158 : i32
      %dma_wait3A_58 = arith.constant 0 : i32
      %dma_wait3A_59 = tpu.memref_slice %arg11[%dma_wait3A_57, %dma_wait3A_58] : memref<160x128xi32, #tpu.memory_space<vmem>> -> memref<1x128xi32, #tpu.memory_space<vmem>>
      %dma_wait3A_60 = tpu.memref_squeeze %dma_wait3A_59 : memref<1x128xi32, #tpu.memory_space<vmem>> -> memref<128xi32, #tpu.memory_space<vmem>>
      %dma_wait3A_61 = arith.constant 0 : i32
      %dma_wait3A_62 = arith.constant 0 : i32
      %dma_wait3A_63 = tpu.memref_slice %arg3[%dma_wait3A_61, %dma_wait3A_62] : memref<10000x64xf32, #tpu.memory_space<hbm>> -> memref<10000x64xf32, #tpu.memory_space<hbm>>
      tpu.wait_indirect_dma semaphore(%arg22 : memref<!tpu.dma_semaphore, #tpu.memory_space<semaphore_mem>>) src(%dma_wait3A_63 : memref<10000x64xf32, #tpu.memory_space<hbm>>) dst(%arg15 : memref<128x64xf32, #tpu.memory_space<vmem>>)
      %run_scoped3A_64 = arith.constant 158 : i32
      "tpu.region"() ({
        %run_scoped3A_75 = tpu.sem_alloc : memref<!tpu.dma_semaphore, #tpu.memory_space<semaphore_mem>>
        %dma_start3A_76 = arith.constant 0 : i32
        %dma_start3A_77 = tpu.memref_slice %arg12[%run_scoped3A_64, %dma_start3A_76] : memref<160x128xi32, #tpu.memory_space<vmem>> -> memref<1x128xi32, #tpu.memory_space<vmem>>
        %dma_start3A_78 = tpu.memref_squeeze %dma_start3A_77 : memref<1x128xi32, #tpu.memory_space<vmem>> -> memref<128xi32, #tpu.memory_space<vmem>>
        %dma_start3A_79 = arith.constant 0 : i32
        %dma_start3A_80 = arith.constant 0 : i32
        %dma_start3A_81 = tpu.memref_slice %arg18[%dma_start3A_79, %dma_start3A_80] : memref<10112x64xf32, #tpu.memory_space<vmem_shared>> -> memref<10112x64xf32, #tpu.memory_space<vmem_shared>>
        tpu.enqueue_indirect_dma source(%arg15 : memref<128x64xf32, #tpu.memory_space<vmem>>) target(%dma_start3A_81 : memref<10112x64xf32, #tpu.memory_space<vmem_shared>>) offsets(%dma_start3A_78 : memref<128xi32, #tpu.memory_space<vmem>>) semaphore(%run_scoped3A_75 : memref<!tpu.dma_semaphore, #tpu.memory_space<semaphore_mem>>) {add = true}
        %dma_wait3A_82 = arith.constant 0 : i32
        %dma_wait3A_83 = tpu.memref_slice %arg12[%run_scoped3A_64, %dma_wait3A_82] : memref<160x128xi32, #tpu.memory_space<vmem>> -> memref<1x128xi32, #tpu.memory_space<vmem>>
        %dma_wait3A_84 = tpu.memref_squeeze %dma_wait3A_83 : memref<1x128xi32, #tpu.memory_space<vmem>> -> memref<128xi32, #tpu.memory_space<vmem>>
        %dma_wait3A_85 = arith.constant 0 : i32
        %dma_wait3A_86 = arith.constant 0 : i32
        %dma_wait3A_87 = tpu.memref_slice %arg18[%dma_wait3A_85, %dma_wait3A_86] : memref<10112x64xf32, #tpu.memory_space<vmem_shared>> -> memref<10112x64xf32, #tpu.memory_space<vmem_shared>>
        tpu.wait_indirect_dma semaphore(%run_scoped3A_75 : memref<!tpu.dma_semaphore, #tpu.memory_space<semaphore_mem>>) src(%arg15 : memref<128x64xf32, #tpu.memory_space<vmem>>) dst(%dma_wait3A_87 : memref<10112x64xf32, #tpu.memory_space<vmem_shared>>)
        tpu.yield
      }) : () -> ()
      %run_scoped3A_65 = arith.constant 158 : i32
      "tpu.region"() ({
        %run_scoped3A_75 = tpu.sem_alloc : memref<!tpu.dma_semaphore, #tpu.memory_space<semaphore_mem>>
        %dma_start3A_76 = arith.constant 0 : i32
        %dma_start3A_77 = tpu.memref_slice %arg12[%run_scoped3A_65, %dma_start3A_76] : memref<160x128xi32, #tpu.memory_space<vmem>> -> memref<1x128xi32, #tpu.memory_space<vmem>>
        %dma_start3A_78 = tpu.memref_squeeze %dma_start3A_77 : memref<1x128xi32, #tpu.memory_space<vmem>> -> memref<128xi32, #tpu.memory_space<vmem>>
        %dma_start3A_79 = arith.constant 0 : i32
        %dma_start3A_80 = arith.constant 0 : i32
        %dma_start3A_81 = tpu.memref_slice %arg19[%dma_start3A_79, %dma_start3A_80] : memref<10112x16xf32, #tpu.memory_space<vmem_shared>> -> memref<10112x16xf32, #tpu.memory_space<vmem_shared>>
        tpu.enqueue_indirect_dma source(%arg17 : memref<128x16xf32, #tpu.memory_space<vmem>>) target(%dma_start3A_81 : memref<10112x16xf32, #tpu.memory_space<vmem_shared>>) offsets(%dma_start3A_78 : memref<128xi32, #tpu.memory_space<vmem>>) semaphore(%run_scoped3A_75 : memref<!tpu.dma_semaphore, #tpu.memory_space<semaphore_mem>>) {add = true}
        %dma_wait3A_82 = arith.constant 0 : i32
        %dma_wait3A_83 = tpu.memref_slice %arg12[%run_scoped3A_65, %dma_wait3A_82] : memref<160x128xi32, #tpu.memory_space<vmem>> -> memref<1x128xi32, #tpu.memory_space<vmem>>
        %dma_wait3A_84 = tpu.memref_squeeze %dma_wait3A_83 : memref<1x128xi32, #tpu.memory_space<vmem>> -> memref<128xi32, #tpu.memory_space<vmem>>
        %dma_wait3A_85 = arith.constant 0 : i32
        %dma_wait3A_86 = arith.constant 0 : i32
        %dma_wait3A_87 = tpu.memref_slice %arg19[%dma_wait3A_85, %dma_wait3A_86] : memref<10112x16xf32, #tpu.memory_space<vmem_shared>> -> memref<10112x16xf32, #tpu.memory_space<vmem_shared>>
        tpu.wait_indirect_dma semaphore(%run_scoped3A_75 : memref<!tpu.dma_semaphore, #tpu.memory_space<semaphore_mem>>) src(%arg17 : memref<128x16xf32, #tpu.memory_space<vmem>>) dst(%dma_wait3A_87 : memref<10112x16xf32, #tpu.memory_space<vmem_shared>>)
        tpu.yield
      }) : () -> ()
      %dma_wait3A_66 = arith.constant 159 : i32
      %dma_wait3A_67 = arith.constant 0 : i32
      %dma_wait3A_68 = tpu.memref_slice %arg11[%dma_wait3A_66, %dma_wait3A_67] : memref<160x128xi32, #tpu.memory_space<vmem>> -> memref<1x128xi32, #tpu.memory_space<vmem>>
      %dma_wait3A_69 = tpu.memref_squeeze %dma_wait3A_68 : memref<1x128xi32, #tpu.memory_space<vmem>> -> memref<128xi32, #tpu.memory_space<vmem>>
      %dma_wait3A_70 = arith.constant 0 : i32
      %dma_wait3A_71 = arith.constant 0 : i32
      %dma_wait3A_72 = tpu.memref_slice %arg3[%dma_wait3A_70, %dma_wait3A_71] : memref<10000x64xf32, #tpu.memory_space<hbm>> -> memref<10000x64xf32, #tpu.memory_space<hbm>>
      tpu.wait_indirect_dma semaphore(%arg23 : memref<!tpu.dma_semaphore, #tpu.memory_space<semaphore_mem>>) src(%dma_wait3A_72 : memref<10000x64xf32, #tpu.memory_space<hbm>>) dst(%arg16 : memref<128x64xf32, #tpu.memory_space<vmem>>)
      %run_scoped3A_73 = arith.constant 159 : i32
      "tpu.region"() ({
        %run_scoped3A_75 = tpu.sem_alloc : memref<!tpu.dma_semaphore, #tpu.memory_space<semaphore_mem>>
        %dma_start3A_76 = arith.constant 0 : i32
        %dma_start3A_77 = tpu.memref_slice %arg12[%run_scoped3A_73, %dma_start3A_76] : memref<160x128xi32, #tpu.memory_space<vmem>> -> memref<1x128xi32, #tpu.memory_space<vmem>>
        %dma_start3A_78 = tpu.memref_squeeze %dma_start3A_77 : memref<1x128xi32, #tpu.memory_space<vmem>> -> memref<128xi32, #tpu.memory_space<vmem>>
        %dma_start3A_79 = arith.constant 0 : i32
        %dma_start3A_80 = arith.constant 0 : i32
        %dma_start3A_81 = tpu.memref_slice %arg18[%dma_start3A_79, %dma_start3A_80] : memref<10112x64xf32, #tpu.memory_space<vmem_shared>> -> memref<10112x64xf32, #tpu.memory_space<vmem_shared>>
        tpu.enqueue_indirect_dma source(%arg16 : memref<128x64xf32, #tpu.memory_space<vmem>>) target(%dma_start3A_81 : memref<10112x64xf32, #tpu.memory_space<vmem_shared>>) offsets(%dma_start3A_78 : memref<128xi32, #tpu.memory_space<vmem>>) semaphore(%run_scoped3A_75 : memref<!tpu.dma_semaphore, #tpu.memory_space<semaphore_mem>>) {add = true}
        %dma_wait3A_82 = arith.constant 0 : i32
        %dma_wait3A_83 = tpu.memref_slice %arg12[%run_scoped3A_73, %dma_wait3A_82] : memref<160x128xi32, #tpu.memory_space<vmem>> -> memref<1x128xi32, #tpu.memory_space<vmem>>
        %dma_wait3A_84 = tpu.memref_squeeze %dma_wait3A_83 : memref<1x128xi32, #tpu.memory_space<vmem>> -> memref<128xi32, #tpu.memory_space<vmem>>
        %dma_wait3A_85 = arith.constant 0 : i32
        %dma_wait3A_86 = arith.constant 0 : i32
        %dma_wait3A_87 = tpu.memref_slice %arg18[%dma_wait3A_85, %dma_wait3A_86] : memref<10112x64xf32, #tpu.memory_space<vmem_shared>> -> memref<10112x64xf32, #tpu.memory_space<vmem_shared>>
        tpu.wait_indirect_dma semaphore(%run_scoped3A_75 : memref<!tpu.dma_semaphore, #tpu.memory_space<semaphore_mem>>) src(%arg16 : memref<128x64xf32, #tpu.memory_space<vmem>>) dst(%dma_wait3A_87 : memref<10112x64xf32, #tpu.memory_space<vmem_shared>>)
        tpu.yield
      }) : () -> ()
      %run_scoped3A_74 = arith.constant 159 : i32
      "tpu.region"() ({
        %run_scoped3A_75 = tpu.sem_alloc : memref<!tpu.dma_semaphore, #tpu.memory_space<semaphore_mem>>
        %dma_start3A_76 = arith.constant 0 : i32
        %dma_start3A_77 = tpu.memref_slice %arg12[%run_scoped3A_74, %dma_start3A_76] : memref<160x128xi32, #tpu.memory_space<vmem>> -> memref<1x128xi32, #tpu.memory_space<vmem>>
        %dma_start3A_78 = tpu.memref_squeeze %dma_start3A_77 : memref<1x128xi32, #tpu.memory_space<vmem>> -> memref<128xi32, #tpu.memory_space<vmem>>
        %dma_start3A_79 = arith.constant 0 : i32
        %dma_start3A_80 = arith.constant 0 : i32
        %dma_start3A_81 = tpu.memref_slice %arg19[%dma_start3A_79, %dma_start3A_80] : memref<10112x16xf32, #tpu.memory_space<vmem_shared>> -> memref<10112x16xf32, #tpu.memory_space<vmem_shared>>
        tpu.enqueue_indirect_dma source(%arg17 : memref<128x16xf32, #tpu.memory_space<vmem>>) target(%dma_start3A_81 : memref<10112x16xf32, #tpu.memory_space<vmem_shared>>) offsets(%dma_start3A_78 : memref<128xi32, #tpu.memory_space<vmem>>) semaphore(%run_scoped3A_75 : memref<!tpu.dma_semaphore, #tpu.memory_space<semaphore_mem>>) {add = true}
        %dma_wait3A_82 = arith.constant 0 : i32
        %dma_wait3A_83 = tpu.memref_slice %arg12[%run_scoped3A_74, %dma_wait3A_82] : memref<160x128xi32, #tpu.memory_space<vmem>> -> memref<1x128xi32, #tpu.memory_space<vmem>>
        %dma_wait3A_84 = tpu.memref_squeeze %dma_wait3A_83 : memref<1x128xi32, #tpu.memory_space<vmem>> -> memref<128xi32, #tpu.memory_space<vmem>>
        %dma_wait3A_85 = arith.constant 0 : i32
        %dma_wait3A_86 = arith.constant 0 : i32
        %dma_wait3A_87 = tpu.memref_slice %arg19[%dma_wait3A_85, %dma_wait3A_86] : memref<10112x16xf32, #tpu.memory_space<vmem_shared>> -> memref<10112x16xf32, #tpu.memory_space<vmem_shared>>
        tpu.wait_indirect_dma semaphore(%run_scoped3A_75 : memref<!tpu.dma_semaphore, #tpu.memory_space<semaphore_mem>>) src(%arg17 : memref<128x16xf32, #tpu.memory_space<vmem>>) dst(%dma_wait3A_87 : memref<10112x16xf32, #tpu.memory_space<vmem_shared>>)
        tpu.yield
      }) : () -> ()
    } else {
    }
    %barrier3A_8 = arith.constant 0 : index
    tpu.barrier barrier_id(%barrier3A_8)
    "tpu.region"() ({
      %run_scoped3A = tpu.sem_alloc : memref<!tpu.dma_semaphore, #tpu.memory_space<semaphore_mem>>
      %dma_start3A = arith.constant 0 : i32
      %dma_start3A_9 = arith.constant 0 : i32
      %dma_start3A_10 = tpu.memref_slice %arg9[%arg0, %dma_start3A, %dma_start3A_9] : memref<2x10112x64xf32, #tpu.memory_space<hbm>> -> memref<1x10112x64xf32, #tpu.memory_space<hbm>>
      %dma_start3A_11 = tpu.memref_squeeze %dma_start3A_10 : memref<1x10112x64xf32, #tpu.memory_space<hbm>> -> memref<10112x64xf32, #tpu.memory_space<hbm>>
      %dma_start3A_12 = arith.constant 0 : i32
      %dma_start3A_13 = tpu.memref_slice %dma_start3A_11[%mul3A_0, %dma_start3A_12] : memref<10112x64xf32, #tpu.memory_space<hbm>> -> memref<632x64xf32, #tpu.memory_space<hbm>>
      %dma_start3A_14 = arith.constant 0 : i32
      %dma_start3A_15 = tpu.memref_slice %arg18[%mul3A_0, %dma_start3A_14] : memref<10112x64xf32, #tpu.memory_space<vmem_shared>> -> memref<632x64xf32, #tpu.memory_space<vmem_shared>>
      tpu.enqueue_dma source(%dma_start3A_15 : memref<632x64xf32, #tpu.memory_space<vmem_shared>>) target(%dma_start3A_13 : memref<632x64xf32, #tpu.memory_space<hbm>>) target_semaphore(%run_scoped3A : memref<!tpu.dma_semaphore, #tpu.memory_space<semaphore_mem>>)
      %dma_wait3A = arith.constant 0 : i32
      %dma_wait3A_16 = arith.constant 0 : i32
      %dma_wait3A_17 = tpu.memref_slice %arg9[%arg0, %dma_wait3A, %dma_wait3A_16] : memref<2x10112x64xf32, #tpu.memory_space<hbm>> -> memref<1x10112x64xf32, #tpu.memory_space<hbm>>
      %dma_wait3A_18 = tpu.memref_squeeze %dma_wait3A_17 : memref<1x10112x64xf32, #tpu.memory_space<hbm>> -> memref<10112x64xf32, #tpu.memory_space<hbm>>
      %dma_wait3A_19 = arith.constant 0 : i32
      %dma_wait3A_20 = tpu.memref_slice %dma_wait3A_18[%mul3A_0, %dma_wait3A_19] : memref<10112x64xf32, #tpu.memory_space<hbm>> -> memref<632x64xf32, #tpu.memory_space<hbm>>
      %dma_wait3A_21 = arith.constant 0 : i32
      %dma_wait3A_22 = tpu.memref_slice %arg18[%mul3A_0, %dma_wait3A_21] : memref<10112x64xf32, #tpu.memory_space<vmem_shared>> -> memref<632x64xf32, #tpu.memory_space<vmem_shared>>
      tpu.wait_dma2 semaphore(%run_scoped3A : memref<!tpu.dma_semaphore, #tpu.memory_space<semaphore_mem>>) src(%dma_wait3A_22 : memref<632x64xf32, #tpu.memory_space<vmem_shared>>) dst(%dma_wait3A_20 : memref<632x64xf32, #tpu.memory_space<hbm>>)
      tpu.yield
    }) : () -> ()
    "tpu.region"() ({
      %run_scoped3A = tpu.sem_alloc : memref<!tpu.dma_semaphore, #tpu.memory_space<semaphore_mem>>
      %dma_start3A = arith.constant 0 : i32
      %dma_start3A_9 = arith.constant 0 : i32
      %dma_start3A_10 = tpu.memref_slice %arg10[%arg0, %dma_start3A, %dma_start3A_9] : memref<2x10112x16xf32, #tpu.memory_space<hbm>> -> memref<1x10112x16xf32, #tpu.memory_space<hbm>>
      %dma_start3A_11 = tpu.memref_squeeze %dma_start3A_10 : memref<1x10112x16xf32, #tpu.memory_space<hbm>> -> memref<10112x16xf32, #tpu.memory_space<hbm>>
      %dma_start3A_12 = arith.constant 0 : i32
      %dma_start3A_13 = tpu.memref_slice %dma_start3A_11[%mul3A_0, %dma_start3A_12] : memref<10112x16xf32, #tpu.memory_space<hbm>> -> memref<632x16xf32, #tpu.memory_space<hbm>>
      %dma_start3A_14 = arith.constant 0 : i32
      %dma_start3A_15 = tpu.memref_slice %arg19[%mul3A_0, %dma_start3A_14] : memref<10112x16xf32, #tpu.memory_space<vmem_shared>> -> memref<632x16xf32, #tpu.memory_space<vmem_shared>>
      tpu.enqueue_dma source(%dma_start3A_15 : memref<632x16xf32, #tpu.memory_space<vmem_shared>>) target(%dma_start3A_13 : memref<632x16xf32, #tpu.memory_space<hbm>>) target_semaphore(%run_scoped3A : memref<!tpu.dma_semaphore, #tpu.memory_space<semaphore_mem>>)
      %dma_wait3A = arith.constant 0 : i32
      %dma_wait3A_16 = arith.constant 0 : i32
      %dma_wait3A_17 = tpu.memref_slice %arg10[%arg0, %dma_wait3A, %dma_wait3A_16] : memref<2x10112x16xf32, #tpu.memory_space<hbm>> -> memref<1x10112x16xf32, #tpu.memory_space<hbm>>
      %dma_wait3A_18 = tpu.memref_squeeze %dma_wait3A_17 : memref<1x10112x16xf32, #tpu.memory_space<hbm>> -> memref<10112x16xf32, #tpu.memory_space<hbm>>
      %dma_wait3A_19 = arith.constant 0 : i32
      %dma_wait3A_20 = tpu.memref_slice %dma_wait3A_18[%mul3A_0, %dma_wait3A_19] : memref<10112x16xf32, #tpu.memory_space<hbm>> -> memref<632x16xf32, #tpu.memory_space<hbm>>
      %dma_wait3A_21 = arith.constant 0 : i32
      %dma_wait3A_22 = tpu.memref_slice %arg19[%mul3A_0, %dma_wait3A_21] : memref<10112x16xf32, #tpu.memory_space<vmem_shared>> -> memref<632x16xf32, #tpu.memory_space<vmem_shared>>
      tpu.wait_dma2 semaphore(%run_scoped3A : memref<!tpu.dma_semaphore, #tpu.memory_space<semaphore_mem>>) src(%dma_wait3A_22 : memref<632x16xf32, #tpu.memory_space<vmem_shared>>) dst(%dma_wait3A_20 : memref<632x16xf32, #tpu.memory_space<hbm>>)
      tpu.yield
    }) : () -> ()
    return
  }
}

module attributes {stable_mosaic.version = 14 : i64} {
  func.func @_tc_body(%arg0: i32, %arg1: memref<2000x128xf32, #tpu.memory_space<vmem>>, %arg2: memref<2000x64xf32, #tpu.memory_space<vmem>>, %arg3: memref<2000x64xf32, #tpu.memory_space<vmem>>, %arg4: memref<2000x16xf32, #tpu.memory_space<vmem>>, %arg5: memref<128x128xf32, #tpu.memory_space<vmem>>, %arg6: memref<128x128xf32, #tpu.memory_space<vmem>>, %arg7: memref<2000x128xf32, #tpu.memory_space<vmem>>) attributes {dimension_semantics = [#tpu.dimension_semantics<arbitrary>], iteration_bounds = array<i64: 5>, scalar_prefetch = 0 : i64, scratch_operands = 0 : i64, tpu.core_type = #tpu.core_type<tc>, window_params = [{transform_indices = @transform_0, window_bounds = array<i64: 2000, 128>}, {transform_indices = @transform_1, window_bounds = array<i64: 2000, 64>}, {transform_indices = @transform_2, window_bounds = array<i64: 2000, 64>}, {transform_indices = @transform_3, window_bounds = array<i64: 2000, 16>}, {pipeline_mode = #tpu.pipeline_mode<synchronous>, transform_indices = @transform_4, window_bounds = array<i64: 128, 128>}, {pipeline_mode = #tpu.pipeline_mode<synchronous>, transform_indices = @transform_5, window_bounds = array<i64: 128, 128>}, {transform_indices = @transform_6, window_bounds = array<i64: 2000, 128>}]} {
    %get3A = arith.constant 0 : index
    %get3A_0 = arith.constant 0 : index
    %get3A_1 = vector.load %arg4[%get3A, %get3A_0] : memref<2000x16xf32, #tpu.memory_space<vmem>>, vector<2000x1xf32>
    %max3A = arith.constant 1.000000e+00 : f32
    %max3A_2 = vector.broadcast %max3A : f32 to vector<2000x1xf32>
    %max3A_3 = arith.maximumf %get3A_1, %max3A_2 : vector<2000x1xf32>
    %get3A_4 = arith.constant 0 : index
    %get3A_5 = arith.constant 0 : index
    %get3A_6 = vector.load %arg2[%get3A_4, %get3A_5] : memref<2000x64xf32, #tpu.memory_space<vmem>>, vector<2000x64xf32>
    %get3A_7 = arith.constant 0 : index
    %get3A_8 = arith.constant 0 : index
    %get3A_9 = vector.load %arg3[%get3A_7, %get3A_8] : memref<2000x64xf32, #tpu.memory_space<vmem>>, vector<2000x64xf32>
    %concatenate3A = tpu.concatenate %get3A_6, %get3A_9 in 1 : vector<2000x64xf32>, vector<2000x64xf32> -> vector<2000x128xf32>
    %div3A = vector.broadcast %max3A_3 : vector<2000x1xf32> to vector<2000x128xf32>
    %div3A_10 = arith.divf %concatenate3A, %div3A : vector<2000x128xf32>
    %get3A_11 = arith.constant 0 : index
    %get3A_12 = arith.constant 0 : index
    %get3A_13 = vector.load %arg5[%get3A_11, %get3A_12] : memref<128x128xf32, #tpu.memory_space<vmem>>, vector<128x128xf32>
    %dot_general3A = arith.constant dense<0.000000e+00> : vector<2000x128xf32>
    %dot_general3A_14 = tpu.matmul %div3A_10, %get3A_13, %dot_general3A {dimension_numbers = #tpu.dot_dimension_numbers<[1], [1], [0], [0], [0, 0, 1, 0], [], []>, transpose_lhs_hint = false} : vector<2000x128xf32>, vector<128x128xf32>, vector<2000x128xf32> -> vector<2000x128xf32>
    %get3A_15 = arith.constant 0 : index
    %get3A_16 = arith.constant 0 : index
    %get3A_17 = vector.load %arg1[%get3A_15, %get3A_16] : memref<2000x128xf32, #tpu.memory_space<vmem>>, vector<2000x128xf32>
    %get3A_18 = arith.constant 0 : index
    %get3A_19 = arith.constant 0 : index
    %get3A_20 = vector.load %arg6[%get3A_18, %get3A_19] : memref<128x128xf32, #tpu.memory_space<vmem>>, vector<128x128xf32>
    %dot_general3A_21 = arith.constant dense<0.000000e+00> : vector<2000x128xf32>
    %dot_general3A_22 = tpu.matmul %get3A_17, %get3A_20, %dot_general3A_21 {dimension_numbers = #tpu.dot_dimension_numbers<[1], [1], [0], [0], [0, 0, 1, 0], [], []>, transpose_lhs_hint = false} : vector<2000x128xf32>, vector<128x128xf32>, vector<2000x128xf32> -> vector<2000x128xf32>
    %add3A = arith.addf %dot_general3A_14, %dot_general3A_22 : vector<2000x128xf32>
    %swap3A = arith.constant 0 : index
    %swap3A_23 = arith.constant 0 : index
    %swap3A_24 = vector.load %arg7[%swap3A, %swap3A_23] : memref<2000x128xf32, #tpu.memory_space<vmem>>, vector<2000x128xf32>
    tpu.vector_store %arg7[%swap3A, %swap3A_23], %add3A {strides = array<i32>} : memref<2000x128xf32, #tpu.memory_space<vmem>>, vector<2000x128xf32>,
    return
  }
  func.func @transform_0(%arg0: i32) -> (i32, i32) {
    %c0_i32 = arith.constant 0 : i32
    %c0_i32_0 = arith.constant 0 : i32
    return %arg0, %c0_i32 : i32, i32
  }
  func.func @transform_1(%arg0: i32) -> (i32, i32) {
    %c0_i32 = arith.constant 0 : i32
    %c0_i32_0 = arith.constant 0 : i32
    return %arg0, %c0_i32 : i32, i32
  }
  func.func @transform_2(%arg0: i32) -> (i32, i32) {
    %c0_i32 = arith.constant 0 : i32
    %c0_i32_0 = arith.constant 0 : i32
    return %arg0, %c0_i32 : i32, i32
  }
  func.func @transform_3(%arg0: i32) -> (i32, i32) {
    %c0_i32 = arith.constant 0 : i32
    %c0_i32_0 = arith.constant 0 : i32
    return %arg0, %c0_i32 : i32, i32
  }
  func.func @transform_4(%arg0: i32) -> (i32, i32) {
    %c0_i32 = arith.constant 0 : i32
    %c0_i32_0 = arith.constant 0 : i32
    %c0_i32_1 = arith.constant 0 : i32
    return %c0_i32, %c0_i32_0 : i32, i32
  }
  func.func @transform_5(%arg0: i32) -> (i32, i32) {
    %c0_i32 = arith.constant 0 : i32
    %c0_i32_0 = arith.constant 0 : i32
    %c0_i32_1 = arith.constant 0 : i32
    return %c0_i32, %c0_i32_0 : i32, i32
  }
  func.func @transform_6(%arg0: i32) -> (i32, i32) {
    %c0_i32 = arith.constant 0 : i32
    %c0_i32_0 = arith.constant 0 : i32
    return %arg0, %c0_i32 : i32, i32
  }
}

</mosaic_0001>

<sc_bundles>
// kernel: kernel.4.cloned.1.call-start
scs
__scs_entry_jumppad:
0x0: {  	(pc) =	sbr.rel $0x88, $3  }
0x1: {  	(tag) =	ssettag $0x0;
	lr =	simm.s32 $0x1  }
0x2: {  	[smem:$0x3F9D] =	sst lr;
	_ =	strace $0xD0000000  }
0x3: {  	_ = 	snop  }
0x4: {  	_ = 	snop  }
0x5: {  	_ = 	snop  }
0x6: {  	_ = 	snop  }
0x7: {  	_ = 	snop  }
__scs_overlays_trampoline_lowered:
0x8: {  	[smem:$0x3FAC] =	sst s0  }
0x9: {  	[smem:$0x3FAD] =	sst s1  }
0xa: {  	[smem:$0x3FAE] =	sst s2  }
0xb: {  	[smem:$0x3FAF] =	sst s3  }
0xc: {  	[smem:$0x3FB0] =	sst s4  }
0xd: {  	[smem:$0x3FB1] =	sst s5  }
0xe: {  	[smem:$0x3FB2] =	sst s6  }
0xf: {  	[smem:$0x3FB3] =	sst s7  }
0x10: {  	[smem:$0x3FB4] =	sst s8  }
0x11: {  	[smem:$0x3FB5] =	sst s9;
	s0 =	simm.s32 @!p0 $0x0  }
0x12: {  	s1 =	sld [smem:$0x3F9B];
	s0 =	simm.s32 @p0 $0x1  }
0x13: {  	[smem:$0x3FB6] =	sst s0;
	s0 =	simm.s32 @!p1 $0x0  }
0x14: {  	s2 =	sld [smem:$0x3F9A];
	s0 =	simm.s32 @p1 $0x1  }
0x15: {  	[smem:$0x3FB7] =	sst s0;
	s0 =	simm.s32 @!p2 $0x0  }
0x16: {  	s3 =	sld [smem:$0x3FDB];
	s0 =	simm.s32 @p2 $0x1  }
0x17: {  	s4 =	simm.s32 $0x1BF5;
	[smem:$0x3FB9] =	sst s0  }
0x18: {  	s0 =	sld [smem:$0x3F9C];
	_ =	swait.ge [sflag:s4], $0x0  }
0x19: {  	s7 =	sld [smem:$0x3F9D]  }
0x1a: {  	s8 =	sadd.s32 $0xFFFFE003, lr  }
0x1b: {  	s9 =	sadd.s32 $0xFFFFFEF7, lr;
	s5 =	simm.s32 $0xFFFFFFFF;
	p2 =	slt.u32 s8, $0xFFFFF086  }
0x1c: {  	p1 =	slt.u32 s9, $0xF7A;
	s5 =	simm.s32 @!p2 $0x0  }
0x1d: {  	s5 =	simm.s32 @p1 $0x1;
	p0 =	seq.s32 s7, s2  }
0x1e: {  	s7 =	smul.u32 @!p0 $0xF7A, s2;
	p2 =	seq.s32 @!p0 s5, $0x0  }
0x1f: {  	s9 =	smul.u32 $0xF7A, s1;
	s8 =	simm.s32 @!p0 $0x1BF5;
	p2 =	por !p2, p0  }
0x20: {  	[sflag:s8] =	ssyncset.s32 @!p0 $0xFFFFF086;
	s6 =	sadd.s32 @!p0 s3, s7;
	s7 =	simm.s32 @!p0 $0x108  }
0x21: {  	s3 =	sadd.s32 s3, s9;
	s6 =	sadd.s32 @!p0 $0x88, s6;
	s7 =	simm.s32 @p2 $0x1082  }
0x22: {  	[simem:s7], [sflag:s8] =	dma.local @!p0 [hbm:s6], $0xF7A  }
0x23: {  	s9 =	sor.u32 $0xD0000000, s2;
	s6 =	simm.s32 $0x108;
	_ =	swait.ge @!p0 [sflag:s8], $0x0  }
0x24: {  	s3 =	sadd.s32 $0x88, s3;
	s6 =	simm.s32 @!p1 $0x1082;
	[sflag:s4] =	ssyncset.s32 $0xFFFFF086  }
0x25: {  	[simem:s6], [sflag:s4] =	dma.local [hbm:s3], $0xF7A  }
0x26: {  	[smem:$0x3F9D] =	sst s1;
	(tag) =	ssettag s2;
	_ =	strace s9  }
0x27: {  	s1 =	sld [smem:$0x3FAD]  }
0x28: {  	s2 =	sld [smem:$0x3FAE]  }
0x29: {  	s4 =	sld [smem:$0x3FB0]  }
0x2a: {  	p0 =	seq.s32 s5, $0x0;
	s5 =	sld [smem:$0x3FB1]  }
0x2b: {  	s6 =	sld [smem:$0x3FB2]  }
0x2c: {  	s7 =	sld [smem:$0x3FB3]  }
0x2d: {  	s3 =	simm.s32 $0x108;
	s8 =	sld [smem:$0x3FB4]  }
0x2e: {  	s3 =	simm.s32 @!p0 $0x1082;
	s9 =	sld [smem:$0x3FB5]  }
0x2f: {  	lr =	sadd.s32 s0, s3;
	s0 =	sld [smem:$0x3FAC]  }
0x30: {  	s3 =	sld [smem:$0x3FAF]  }
0x31: {  	[smem:$0x3FB8] =	sst s10  }
0x32: {  	s10 =	sld [smem:$0x3FB6];
	_ =	sdelay $0x3  }
0x33: {  	p0 =	seq.s32 s10, $0x1;
	s10 =	sld [smem:$0x3FB8];
	_ =	sdelay $0x3  }
0x34: {  	[smem:$0x3FB8] =	sst s10  }
0x35: {  	s10 =	sld [smem:$0x3FB7];
	_ =	sdelay $0x3  }
0x36: {  	p1 =	seq.s32 s10, $0x1;
	s10 =	sld [smem:$0x3FB8];
	_ =	sdelay $0x3  }
0x37: {  	[smem:$0x3FB8] =	sst s10  }
0x38: {  	s10 =	sld [smem:$0x3FB9]  }
0x39: {  	_ = 	snop;
	(pc) =	sbr.ind lr, $3  }
0x3a: {  	_ = 	snop  }
0x3b: {  	_ = 	snop  }
0x3c: {  	p2 =	seq.s32 s10, $0x1;
	s10 =	sld [smem:$0x3FB8]  }
0x3d: {  	_ =	shalt  }
0x3e: {  	_ =	shalt  }
0x3f: {  	_ =	shalt  }
0x40: {  	_ =	shalt  }
0x41: {  	_ =	shalt  }
0x42: {  	_ =	shalt  }
0x43: {  	_ =	shalt  }
0x44: {  	_ =	shalt  }
0x45: {  	_ =	shalt  }
0x46: {  	_ =	shalt  }
0x47: {  	_ =	shalt  }
0x48: {  	_ =	shalt  }
0x49: {  	_ =	shalt  }
0x4a: {  	_ =	shalt  }
0x4b: {  	_ =	shalt  }
0x4c: {  	_ =	shalt  }
0x4d: {  	_ =	shalt  }
0x4e: {  	_ =	shalt  }
0x4f: {  	_ =	shalt  }
0x50: {  	_ =	shalt  }
0x51: {  	_ =	shalt  }
0x52: {  	_ =	shalt  }
0x53: {  	_ =	shalt  }
0x54: {  	_ =	shalt  }
0x55: {  	_ =	shalt  }
0x56: {  	_ =	shalt  }
0x57: {  	_ =	shalt  }
0x58: {  	_ =	shalt  }
0x59: {  	_ =	shalt  }
0x5a: {  	_ =	shalt  }
0x5b: {  	_ =	shalt  }
0x5c: {  	_ =	shalt  }
0x5d: {  	_ =	shalt  }
0x5e: {  	_ =	shalt  }
0x5f: {  	_ =	shalt  }
0x60: {  	_ =	shalt  }
0x61: {  	_ =	shalt  }
0x62: {  	_ =	shalt  }
0x63: {  	_ =	shalt  }
0x64: {  	_ =	shalt  }
0x65: {  	_ =	shalt  }
0x66: {  	_ =	shalt  }
0x67: {  	_ =	shalt  }
0x68: {  	_ =	shalt  }
0x69: {  	_ =	shalt  }
0x6a: {  	_ =	shalt  }
0x6b: {  	_ =	shalt  }
0x6c: {  	_ =	shalt  }
0x6d: {  	_ =	shalt  }
0x6e: {  	_ =	shalt  }
0x6f: {  	_ =	shalt  }
0x70: {  	_ =	shalt  }
0x71: {  	_ =	shalt  }
0x72: {  	_ =	shalt  }
0x73: {  	_ =	shalt  }
0x74: {  	_ =	shalt  }
0x75: {  	_ =	shalt  }
0x76: {  	_ =	shalt  }
0x77: {  	_ =	shalt  }
0x78: {  	_ =	shalt  }
0x79: {  	_ =	shalt  }
0x7a: {  	_ =	shalt  }
0x7b: {  	_ =	shalt  }
0x7c: {  	_ =	shalt  }
0x7d: {  	_ =	shalt  }
0x7e: {  	_ =	shalt  }
0x7f: {  	_ =	shalt  }
0x80: {  	_ =	shalt  }
0x81: {  	_ =	shalt  }
0x82: {  	_ =	shalt  }
0x83: {  	_ =	shalt  }
0x84: {  	_ =	shalt  }
0x85: {  	_ =	shalt  }
0x86: {  	_ =	shalt  }
0x87: {  	_ =	shalt  }
.Lfunc_end0:
.L_simem_size_0:
called_computation_lowered:
.L_overlay_start_0:
0x88: {  	s2 =	sld [smem:$0x3FD9]  }
0x89: {  	s3 =	sld [smem:$0x3FFE];
	_ =	sdelay $0x1  }
0x8a: {  	s1 =	srdreg.scid  }
0x8b: {  	s0 =	sand.u32 $0x1, s1  }
0x8c: {  	s17 =	sshll.u32 s0, $0xA;
	s2 =	sadd.s32 s3, s2  }
0x8d: {  	s2 =	sadd.s32 s2, s17  }
0x8e: {  	[smem:$0x3FC4] =	sst s2  }
0x8f: {  	_ = 	snop  }
0x90: {  	s2 =	sld [smem:$0x3FD0];
	(tm) =	ssettm $0x1  }
0x91: {  	s18 =	sld [smem:$0x3FFB];
	_ =	sdelay $0x3  }
0x92: {  	_ =	strace s18  }
0x93: {  	s3 =	sld [smem:$0x3FFC];
	_ =	sdelay $0x3  }
0x94: {  	_ =	strace s3  }
0x95: {  	s3 =	sld [smem:$0x3FFD];
	_ =	sdelay $0x3  }
0x96: {  	_ =	strace s3  }
0x97: {  	_ =	strace $0x8FFFFFFF  }
0x98: {  	s19 =	sld [smem:$0x3FDB];
	_ =	sdelay $0x1  }
0x99: {  	s4 =	simm.s32 $_scs_section_size  }
0x9a: {  	s5 =	simm.s32 $_size__tile_overlayer_lowered;
	s6 =	simm.s32 $_tile_overlayer_lowered  }
0x9b: {  	s22 =	simm.s32 $0x1BFF;
	s21 =	sshll.u32 s6, $0x1;
	s3 =	sadd.s32 s4, s19  }
0x9c: {  	s7 =	simm.s32 $0x0;
	s20 =	sshll.u32 s5, $0x1;
	s5 =	sadd.s32 s21, s3  }
0x9d: {  	[timem:s7], [sflag:s22] =	dma.local [hbm:s5], s20  }
0x9e: {  	_ =	swait.ge [sflag:s22], s20  }
0x9f: {  	s4 =	ssub.s32 $0x0, s20;
	[sflag:s22] =	ssyncset.done $0x0  }
0xa0: {  	[sflag:s22] =	ssyncadd.s32 s4;
	_ =	sdelay $0x1  }
0xa1: {  	s23 =	simm.s32 $0x1B8B  }
0xa2: {  	_ =	swait.ge [sflag:s23], $0x1  }
0xa3: {  	[sflag:s23] =	ssyncset.done $0x0  }
0xa4: {  	s25 =	simm.s32 $0x1B8E;
	s24 =	sld [smem:$0x3FFE];
	[sflag:s23] =	ssyncadd.s32 $0xFFFFFFFF  }
0xa5: {  	s26 =	simm.s32 $execute0_lowered;
	[smem:$0x3FD2] =	sst s25  }
0xa6: {  	s5 =	sshll.u32 s26, $0x1;
	_ =	strace $0x80000046;
	[dreg:$0x1] =	wrdreg $0xFFFFFFFF  }
0xa7: {  	s28 =	simm.s32 $_size_execute0_lowered;
	s3 =	sadd.s32 s3, s5;
	[dreg:$0x0] =	wrdreg $0x0  }
0xa8: {  	s5 =	sshll.u32 s28, $0x1;
	[dreg:$0x2] =	wrdreg s3  }
0xa9: {  	[dreg:$0x3] =	wrdreg s5  }
0xaa: {  	[dreg:$0x4] =	wrdreg $0xC0  }
0xab: {  	_ =	task [dreg:s7], $0x5FFFF  }
0xac: {  	[dreg:$0x1] =	wrdreg $0xFFFFFFFF  }
0xad: {  	[dreg:$0x0] =	wrdreg $0x60  }
0xae: {  	[dreg:$0x2] =	wrdreg s2  }
0xaf: {  	[dreg:$0x3] =	wrdreg s24  }
0xb0: {  	[dreg:$0x4] =	wrdreg $0x128000  }
0xb1: {  	[dreg:$0x5] =	wrdreg $0x1C6000  }
0xb2: {  	[dreg:$0x6] =	wrdreg $0x9  }
0xb3: {  	_ =	task.clear_ibuf [dreg:s7], $0x7FFFF;
	_ =	strace $0x90000046  }
0xb4: {  	s29 =	simm.s32 $0x9;
	_ =	strace $0x80000048  }
0xb5: {  	_ =	swait.ge [sflag:s29], $0x1  }
0xb6: {  	[sflag:s29] =	ssyncadd.s32 $0xFFFFFFFF  }
0xb7: {  	_ =	strace $0x90000048  }
0xb8: {  	_ =	sfence  }
0xb9: {  	s30 =	sld [smem:$0x0];
	_ =	sdelay $0x2  }
0xba: {  	s31 =	sshll.u32 s1, $0xD;
	s1 =	sshrl.u32 s1, $0x2  }
0xbb: {  	s3 =	sand.u32 $0x4000, s31;
	s1 =	sadd.s32 s1, s30  }
0xbc: {  	s0 =	sor.u32 s3, s0;
	s1 =	sshll.u32 s1, $0x11  }
0xbd: {  	s0 =	sor.u32 s1, s0  }
0xbe: {  	s0 =	sadd.s32 $0x8F2B, s0  }
0xbf: {  	[sflag:s0] =	ssyncadd.remote.s32 $0x1  }
0xc0: {  	_ =	sfence.sel $0xFFFF  }
0xc1: {  	[dreg:$0x0] =	wrdreg $0xFFFFFFFF;
	(pc) =	sbr.abs _section_cstart, $3  }
0xc2: {  	[dreg:$0x1] =	wrdreg $0xFFFFFFFF  }
0xc3: {  	_ =	task.clear_ibuf [dreg:s7], $0x2FFFF;
	_ =	strace $0x9FFFFFFF  }
0xc4: {  	(tm) =	ssettm $0x7FFFFFFF  }
0xc5: {  	_ =	shalt  }
tec
execute0_lowered:
.L_overlay_start_1:
0x0: {  	(tag) =	ssettag $0x1  }
0x1: {  	s1 =	rddreg [dreg:$0x0]  }
0x2: {  	s0 =	rddreg [dreg:$0x1]  }
0x3: {  	s2 =	rddreg [dreg:$0x2]  }
0x4: {  	s4 =	rddreg [dreg:$0x3];
	s5 =	simm.s32 $0x0  }
0x5: {  	s11 =	stileid.u32;
	s7 =	srdreg.scid;
	s17 =	simm.s32 $0x12000  }
0x6: {  	s28 =	simm.s32 $0x10000;
	s29 =	simm.s32 $0x1;
	s30 =	simm.s32 $0x2  }
0x7: {  	s31 =	simm.s32 $0x3;
	[smem:$0x7FF] =	sst s5;
	s3 =	smul.u32 $0xA00, s11  }
0x8: {  	s6 =	sadd.s32 $0xC00, s0;
	s7 =	sand.u32 $0x1, s7;
	s8 =	sadd.s32 $0x28E00, s0  }
0x9: {  	s9 =	sadd.s32 $0x28800, s0;
	s19 =	sadd.s32 $0x28600, s0;
	s13 =	smul.u32 $0x9E00, s11  }
0xa: {  	s14 =	smul.u32 $0x2780, s11;
	_ =	strace $0x80000047;
	[dreg:$0x5] =	wrdreg s8  }
0xb: {  	s22 =	sshll.u32 s11, $0x6;
	s18 =	smul.u32 $0x13C00, s7;
	[dreg:$0x6] =	wrdreg s9  }
0xc: {  	[dreg:$0x7] =	wrdreg s19;
	s20 =	smul.u32 $0x4F00, s7;
	s10 =	ssub.s32 $0x2, s7  }
0xd: {  	p0 =	seq.s32 s7, $0x1;
	s19 =	simm.s32 $0x80;
	s7 =	simm.s32 $0x0  }
0xe: {  	s3 =	sadd.s32 s3, s0;
	s21 =	sshrl.u32 s10, $0x1;
	s15 =	sadd.s32 s13, s2  }
0xf: {  	s16 =	sadd.s32 s14, s4;
	s25 =	sshrl.u32 s13, $0x3;
	s26 =	sshrl.u32 s14, $0x3  }
0x10: {  	s8 =	sadd.s32 s18, s0;
	s0 =	sadd.s32 s20, s0;
	s9 =	ssub.s32 s10, s21  }
0x11: {  	s10 =	sor.u32 $0x1C05, s22;
	s23 =	sadd.s32 $0x14600, s3;
	s12 =	sadd.s32 $0x1E600, s3  }
0x12: {  	s14 =	sshrl.u32 s15, $0x3;
	s15 =	simm.s32 $0x5;
	s16 =	sshrl.u32 s16, $0x3  }
.Ltmp0:
0x13: {  	s20 =	simm.s32 $0xA000;
	s21 =	simm.s32 $0xC000;
	(pc) =	sbr.rel .LBB2_1-.Ltmp0, $4  }
0x14: {  	s3 =	simm.s32 $0x9E00;
	s18 =	simm.s32 $0x9E80;
	[dreg:$0x8] =	wrdreg s23  }
0x15: {  	s24 =	sadd.s32 $0x2A200, s8;
	s0 =	sadd.s32 $0x51A00, s0;
	s13 =	smax.u32 s9, $0x1  }
0x16: {  	s23 =	simm.s32 $0x9F00;
	s22 =	sadd.s32 s25, s24;
	s24 =	sadd.s32 s26, s0  }
0x17: {  	s25 =	simm.s32 $0xE000;
	s0 =	simm.s32 $0x4;
	s26 =	simm.s32 $0x9F80  }
.LBB2_7:
0x18: {  	[tilespmem:s28], [sflag:$0x4] =	stream.indirect.gather [hbm4b:s6+s19], $0x40, s9, s19, $0xb8;
	[tilespmem:$0x1ED80] =	vst v63  }
.LBB2_8:
0x19: {  	_ =	swait.ge [sflag:s29], $0x2000  }
0x1a: {  	[sflag:s29] =	ssyncset.done $0x0  }
0x1b: {  	[sflag:s29] =	ssyncadd.s32 $0xFFFFE000  }
0x1c: {  	[spmem:s2] =	stream.indirect.scatter.add.f32 [tilespmem:s20], [sflag:$0x5], $0x40, s3, s19, $0xb8;
	[tilespmem:$0x1ED80] =	vst v63  }
0x1d: {  	_ =	swait.ge [sflag:s15], $0x2000  }
0x1e: {  	[sflag:s15] =	ssyncset.done $0x0  }
0x1f: {  	[sflag:s15] =	ssyncadd.s32 $0xFFFFE000  }
0x20: {  	[spmem:s4] =	stream.indirect.scatter.add.f32 [tilespmem:s17], [sflag:$0x5], $0x10, s3, s19, $0xb8;
	[tilespmem:$0x1ED80] =	vst v63  }
0x21: {  	_ =	swait.ge [sflag:s15], $0x800  }
0x22: {  	[sflag:s15] =	ssyncset.done $0x0  }
0x23: {  	[sflag:s15] =	ssyncadd.s32 $0xFFFFF800  }
0x24: {  	_ =	swait.ge [sflag:s30], $0x2000  }
0x25: {  	[sflag:s30] =	ssyncset.done $0x0  }
0x26: {  	[sflag:s30] =	ssyncadd.s32 $0xFFFFE000  }
0x27: {  	[spmem:s2] =	stream.indirect.scatter.add.f32 [tilespmem:s21], [sflag:$0x5], $0x40, s18, s19, $0xb8;
	[tilespmem:$0x1ED80] =	vst v63  }
0x28: {  	_ =	swait.ge [sflag:s15], $0x2000  }
0x29: {  	[sflag:s15] =	ssyncset.done $0x0  }
0x2a: {  	[sflag:s15] =	ssyncadd.s32 $0xFFFFE000  }
0x2b: {  	[spmem:s4] =	stream.indirect.scatter.add.f32 [tilespmem:s17], [sflag:$0x5], $0x10, s18, s19, $0xb8;
	[tilespmem:$0x1ED80] =	vst v63  }
0x2c: {  	_ =	swait.ge [sflag:s15], $0x800  }
0x2d: {  	[sflag:s15] =	ssyncset.done $0x0  }
0x2e: {  	[sflag:s15] =	ssyncadd.s32 $0xFFFFF800  }
0x2f: {  	_ =	swait.ge [sflag:s31], $0x2000  }
0x30: {  	[sflag:s31] =	ssyncset.done $0x0  }
0x31: {  	[sflag:s31] =	ssyncadd.s32 $0xFFFFE000  }
0x32: {  	[spmem:s2] =	stream.indirect.scatter.add.f32 [tilespmem:s25], [sflag:$0x5], $0x40, s23, s19, $0xb8;
	[tilespmem:$0x1ED80] =	vst v63  }
0x33: {  	_ =	swait.ge [sflag:s15], $0x2000  }
0x34: {  	[sflag:s15] =	ssyncset.done $0x0  }
0x35: {  	[sflag:s15] =	ssyncadd.s32 $0xFFFFE000  }
0x36: {  	[spmem:s4] =	stream.indirect.scatter.add.f32 [tilespmem:s17], [sflag:$0x5], $0x10, s23, s19, $0xb8;
	[tilespmem:$0x1ED80] =	vst v63  }
0x37: {  	_ =	swait.ge [sflag:s15], $0x800  }
0x38: {  	[sflag:s15] =	ssyncset.done $0x0  }
0x39: {  	[sflag:s15] =	ssyncadd.s32 $0xFFFFF800  }
0x3a: {  	_ =	swait.ge [sflag:s0], $0x2000  }
0x3b: {  	[sflag:s0] =	ssyncset.done $0x0  }
0x3c: {  	[sflag:s0] =	ssyncadd.s32 $0xFFFFE000  }
0x3d: {  	[spmem:s2] =	stream.indirect.scatter.add.f32 [tilespmem:s28], [sflag:$0x5], $0x40, s26, s19, $0xb8;
	[tilespmem:$0x1ED80] =	vst v63  }
0x3e: {  	_ =	swait.ge [sflag:s15], $0x2000  }
0x3f: {  	[sflag:s15] =	ssyncset.done $0x0  }
0x40: {  	[sflag:s15] =	ssyncadd.s32 $0xFFFFE000  }
0x41: {  	[spmem:s4] =	stream.indirect.scatter.add.f32 [tilespmem:s17], [sflag:$0x5], $0x10, s26, s19, $0xb8;
	[tilespmem:$0x1ED80] =	vst v63  }
0x42: {  	_ =	swait.ge [sflag:s15], $0x800  }
0x43: {  	[sflag:s15] =	ssyncset.done $0x0  }
0x44: {  	[sflag:s15] =	ssyncadd.s32 $0xFFFFF800  }
0x45: {  	[bflag:$0x0] =	sbarrier.arrive $0xFFFF  }
0x46: {  	[hbm:s22], [sflag:s10] =	dma.local [spmem:s14], $0x13C0  }
0x47: {  	s7 =	sadd.s32 $0x1, s7;
	_ =	swait.ge [sflag:s15], $0x13C0  }
0x48: {  	p1 =	sne.s32 s7, s13;
	[sflag:s15] =	ssyncset.done $0x0  }
.Ltmp1:
0x49: {  	[sflag:s15] =	ssyncadd.s32 $0xFFFFEC40;
	(pc) =	sbr.rel @!p1 .LBB2_9-.Ltmp1, $4  }
0x4a: {  	[hbm:s24], [sflag:s10] =	dma.local [spmem:s16], $0x4F0  }
0x4b: {  	_ =	swait.ge [sflag:s15], $0x4F0  }
0x4c: {  	[sflag:s15] =	ssyncset.done $0x0  }
0x4d: {  	[sflag:s15] =	ssyncadd.s32 $0xFFFFFB10  }
.LBB2_1:
0x4e: {  	s8 =	rddreg [dreg:$0x5]  }
0x4f: {  	[spmem:s14], [sflag:s10] =	dma.local [hbm:s8], $0x13C0  }
0x50: {  	_ =	swait.ge [sflag:s15], $0x13C0  }
0x51: {  	[sflag:s15] =	ssyncset.done $0x0  }
0x52: {  	s11 =	rddreg [dreg:$0x6];
	[sflag:s15] =	ssyncadd.s32 $0xFFFFEC40  }
0x53: {  	[spmem:s16], [sflag:s10] =	dma.local [hbm:s11], $0x4F0  }
0x54: {  	_ =	swait.ge [sflag:s15], $0x4F0  }
0x55: {  	[sflag:s15] =	ssyncset.done $0x0  }
0x56: {  	s9 =	rddreg [dreg:$0x7];
	[sflag:s15] =	ssyncadd.s32 $0xFFFFFB10  }
0x57: {  	[tilespmem:s17], [sflag:$0x5] =	stream.linear.gather [hbm4b:s9+s5], $0x800, $0x38;
	[tilespmem:$0x1ED80] =	vst v63  }
0x58: {  	_ =	swait.ge [sflag:s15], $0x800  }
0x59: {  	[sflag:s15] =	ssyncset.done $0x0  }
0x5a: {  	s9 =	simm.s32 $0x5000;
	s11 =	rddreg [dreg:$0x8];
	[sflag:s15] =	ssyncadd.s32 $0xFFFFF800  }
0x5b: {  	[tilespmem:s9], [sflag:$0x5] =	stream.linear.gather [hbm4b:s11+s5], $0x5000, $0x38;
	[tilespmem:$0x1ED80] =	vst v63  }
0x5c: {  	_ =	swait.ge [sflag:s15], $0x5000  }
0x5d: {  	[sflag:s15] =	ssyncset.done $0x0  }
0x5e: {  	[sflag:s15] =	ssyncadd.s32 $0xFFFFB000  }
0x5f: {  	[tilespmem:s5], [sflag:$0x5] =	stream.linear.gather [hbm4b:s12+s5], $0x5000, $0x38;
	[tilespmem:$0x1ED80] =	vst v63  }
.Ltmp2:
0x60: {  	_ =	swait.ge [sflag:s15], $0x5000;
	(pc) =	sbr.rel @!p0 .LBB2_2-.Ltmp2, $4  }
0x61: {  	[sflag:s15] =	ssyncset.done $0x0  }
0x62: {  	[sflag:s15] =	ssyncadd.s32 $0xFFFFB000  }
0x63: {  	[bflag:$0x0] =	sbarrier.arrive $0xFFFF  }
0x64: {  	s8 =	simm.s32 $0x0  }
0x65: {  	[tilespmem:s20], [sflag:$0x1] =	stream.indirect.gather [hbm4b:s6+s19], $0x40, s8, s19, $0xb8;
	[tilespmem:$0x1ED80] =	vst v63  }
0x66: {  	_ = 	snop  }
0x67: {  	[tilespmem:s21], [sflag:$0x2] =	stream.indirect.gather [hbm4b:s6+s19], $0x40, s19, s19, $0xb8;
	[tilespmem:$0x1ED80] =	vst v63  }
0x68: {  	s11 =	simm.s32 $0x100  }
0x69: {  	[tilespmem:s25], [sflag:$0x3] =	stream.indirect.gather [hbm4b:s6+s19], $0x40, s11, s19, $0xb8;
	[tilespmem:$0x1ED80] =	vst v63  }
0x6a: {  	s9 =	simm.s32 $0x180  }
0x6b: {  	[tilespmem:s28], [sflag:$0x4] =	stream.indirect.gather [hbm4b:s6+s19], $0x40, s9, s19, $0xb8;
	[tilespmem:$0x1ED80] =	vst v63  }
0x6c: {  	_ =	swait.ge [sflag:s29], $0x2000  }
0x6d: {  	[sflag:s29] =	ssyncset.done $0x0  }
0x6e: {  	s11 =	simm.s32 $0x5000;
	[sflag:s29] =	ssyncadd.s32 $0xFFFFE000  }
0x6f: {  	[spmem:s2] =	stream.indirect.scatter.add.f32 [tilespmem:s20], [sflag:$0x5], $0x40, s11, s19, $0xb8;
	[tilespmem:$0x1ED80] =	vst v63  }
0x70: {  	_ =	swait.ge [sflag:s15], $0x2000  }
0x71: {  	[sflag:s15] =	ssyncset.done $0x0  }
0x72: {  	[sflag:s15] =	ssyncadd.s32 $0xFFFFE000  }
0x73: {  	[spmem:s4] =	stream.indirect.scatter.add.f32 [tilespmem:s17], [sflag:$0x5], $0x10, s11, s19, $0xb8;
	[tilespmem:$0x1ED80] =	vst v63  }
0x74: {  	_ =	swait.ge [sflag:s15], $0x800  }
0x75: {  	[sflag:s15] =	ssyncset.done $0x0  }
0x76: {  	s9 =	simm.s32 $0x200;
	[sflag:s15] =	ssyncadd.s32 $0xFFFFF800  }
0x77: {  	[tilespmem:s20], [sflag:$0x1] =	stream.indirect.gather [hbm4b:s6+s19], $0x40, s9, s19, $0xb8;
	[tilespmem:$0x1ED80] =	vst v63  }
0x78: {  	_ =	swait.ge [sflag:s30], $0x2000  }
0x79: {  	[sflag:s30] =	ssyncset.done $0x0  }
0x7a: {  	s11 =	simm.s32 $0x5080;
	[sflag:s30] =	ssyncadd.s32 $0xFFFFE000  }
0x7b: {  	[spmem:s2] =	stream.indirect.scatter.add.f32 [tilespmem:s21], [sflag:$0x5], $0x40, s11, s19, $0xb8;
	[tilespmem:$0x1ED80] =	vst v63  }
0x7c: {  	_ =	swait.ge [sflag:s15], $0x2000  }
0x7d: {  	[sflag:s15] =	ssyncset.done $0x0  }
0x7e: {  	[sflag:s15] =	ssyncadd.s32 $0xFFFFE000  }
0x7f: {  	[spmem:s4] =	stream.indirect.scatter.add.f32 [tilespmem:s17], [sflag:$0x5], $0x10, s11, s19, $0xb8;
	[tilespmem:$0x1ED80] =	vst v63  }
0x80: {  	_ =	swait.ge [sflag:s15], $0x800  }
0x81: {  	[sflag:s15] =	ssyncset.done $0x0  }
0x82: {  	s9 =	simm.s32 $0x280;
	[sflag:s15] =	ssyncadd.s32 $0xFFFFF800  }
0x83: {  	[tilespmem:s21], [sflag:$0x2] =	stream.indirect.gather [hbm4b:s6+s19], $0x40, s9, s19, $0xb8;
	[tilespmem:$0x1ED80] =	vst v63  }
0x84: {  	_ =	swait.ge [sflag:s31], $0x2000  }
0x85: {  	[sflag:s31] =	ssyncset.done $0x0  }
0x86: {  	s11 =	simm.s32 $0x5100;
	[sflag:s31] =	ssyncadd.s32 $0xFFFFE000  }
0x87: {  	[spmem:s2] =	stream.indirect.scatter.add.f32 [tilespmem:s25], [sflag:$0x5], $0x40, s11, s19, $0xb8;
	[tilespmem:$0x1ED80] =	vst v63  }
0x88: {  	_ =	swait.ge [sflag:s15], $0x2000  }
0x89: {  	[sflag:s15] =	ssyncset.done $0x0  }
0x8a: {  	[sflag:s15] =	ssyncadd.s32 $0xFFFFE000  }
0x8b: {  	[spmem:s4] =	stream.indirect.scatter.add.f32 [tilespmem:s17], [sflag:$0x5], $0x10, s11, s19, $0xb8;
	[tilespmem:$0x1ED80] =	vst v63  }
0x8c: {  	_ =	swait.ge [sflag:s15], $0x800  }
0x8d: {  	[sflag:s15] =	ssyncset.done $0x0  }
0x8e: {  	s9 =	simm.s32 $0x300;
	[sflag:s15] =	ssyncadd.s32 $0xFFFFF800  }
0x8f: {  	[tilespmem:s25], [sflag:$0x3] =	stream.indirect.gather [hbm4b:s6+s19], $0x40, s9, s19, $0xb8;
	[tilespmem:$0x1ED80] =	vst v63  }
0x90: {  	_ =	swait.ge [sflag:s0], $0x2000  }
0x91: {  	[sflag:s0] =	ssyncset.done $0x0  }
0x92: {  	s11 =	simm.s32 $0x5180;
	[sflag:s0] =	ssyncadd.s32 $0xFFFFE000  }
0x93: {  	[spmem:s2] =	stream.indirect.scatter.add.f32 [tilespmem:s28], [sflag:$0x5], $0x40, s11, s19, $0xb8;
	[tilespmem:$0x1ED80] =	vst v63  }
0x94: {  	_ =	swait.ge [sflag:s15], $0x2000  }
0x95: {  	[sflag:s15] =	ssyncset.done $0x0  }
0x96: {  	[sflag:s15] =	ssyncadd.s32 $0xFFFFE000  }
0x97: {  	[spmem:s4] =	stream.indirect.scatter.add.f32 [tilespmem:s17], [sflag:$0x5], $0x10, s11, s19, $0xb8;
	[tilespmem:$0x1ED80] =	vst v63  }
0x98: {  	_ =	swait.ge [sflag:s15], $0x800  }
0x99: {  	[sflag:s15] =	ssyncset.done $0x0  }
0x9a: {  	s8 =	simm.s32 $0x800;
	s9 =	simm.s32 $0x380;
	[sflag:s15] =	ssyncadd.s32 $0xFFFFF800  }
.LBB2_6:
0x9b: {  	[tilespmem:s28], [sflag:$0x4] =	stream.indirect.gather [hbm4b:s6+s19], $0x40, s9, s19, $0xb8;
	[tilespmem:$0x1ED80] =	vst v63  }
0x9c: {  	s9 =	smov.u32 s8  }
0x9d: {  	p1 =	sne.s32 s8, $0x13000;
	s8 =	sadd.s32 $0x800, s8;
	_ =	swait.ge [sflag:s29], $0x2000  }
0x9e: {  	s9 =	sshra.s32 s9, $0x2;
	[sflag:s29] =	ssyncset.done $0x0  }
0x9f: {  	s11 =	sadd.s32 $0x5000, s9;
	[sflag:s29] =	ssyncadd.s32 $0xFFFFE000  }
0xa0: {  	[spmem:s2] =	stream.indirect.scatter.add.f32 [tilespmem:s20], [sflag:$0x5], $0x40, s11, s19, $0xb8;
	[tilespmem:$0x1ED80] =	vst v63  }
0xa1: {  	_ =	swait.ge [sflag:s15], $0x2000  }
0xa2: {  	[sflag:s15] =	ssyncset.done $0x0  }
0xa3: {  	[sflag:s15] =	ssyncadd.s32 $0xFFFFE000  }
0xa4: {  	[spmem:s4] =	stream.indirect.scatter.add.f32 [tilespmem:s17], [sflag:$0x5], $0x10, s11, s19, $0xb8;
	[tilespmem:$0x1ED80] =	vst v63  }
0xa5: {  	_ =	swait.ge [sflag:s15], $0x800  }
0xa6: {  	[sflag:s15] =	ssyncset.done $0x0  }
0xa7: {  	s11 =	sadd.s32 $0x200, s9;
	[sflag:s15] =	ssyncadd.s32 $0xFFFFF800  }
0xa8: {  	[tilespmem:s20], [sflag:$0x1] =	stream.indirect.gather [hbm4b:s6+s19], $0x40, s11, s19, $0xb8;
	[tilespmem:$0x1ED80] =	vst v63  }
0xa9: {  	_ =	swait.ge [sflag:s30], $0x2000  }
0xaa: {  	[sflag:s30] =	ssyncset.done $0x0  }
0xab: {  	s11 =	sadd.s32 $0x5080, s9;
	[sflag:s30] =	ssyncadd.s32 $0xFFFFE000  }
0xac: {  	[spmem:s2] =	stream.indirect.scatter.add.f32 [tilespmem:s21], [sflag:$0x5], $0x40, s11, s19, $0xb8;
	[tilespmem:$0x1ED80] =	vst v63  }
0xad: {  	_ =	swait.ge [sflag:s15], $0x2000  }
0xae: {  	[sflag:s15] =	ssyncset.done $0x0  }
0xaf: {  	[sflag:s15] =	ssyncadd.s32 $0xFFFFE000  }
0xb0: {  	[spmem:s4] =	stream.indirect.scatter.add.f32 [tilespmem:s17], [sflag:$0x5], $0x10, s11, s19, $0xb8;
	[tilespmem:$0x1ED80] =	vst v63  }
0xb1: {  	_ =	swait.ge [sflag:s15], $0x800  }
0xb2: {  	[sflag:s15] =	ssyncset.done $0x0  }
0xb3: {  	s11 =	sadd.s32 $0x280, s9;
	[sflag:s15] =	ssyncadd.s32 $0xFFFFF800  }
0xb4: {  	[tilespmem:s21], [sflag:$0x2] =	stream.indirect.gather [hbm4b:s6+s19], $0x40, s11, s19, $0xb8;
	[tilespmem:$0x1ED80] =	vst v63  }
0xb5: {  	_ =	swait.ge [sflag:s31], $0x2000  }
0xb6: {  	[sflag:s31] =	ssyncset.done $0x0  }
0xb7: {  	s11 =	sadd.s32 $0x5100, s9;
	[sflag:s31] =	ssyncadd.s32 $0xFFFFE000  }
0xb8: {  	[spmem:s2] =	stream.indirect.scatter.add.f32 [tilespmem:s25], [sflag:$0x5], $0x40, s11, s19, $0xb8;
	[tilespmem:$0x1ED80] =	vst v63  }
0xb9: {  	_ =	swait.ge [sflag:s15], $0x2000  }
0xba: {  	[sflag:s15] =	ssyncset.done $0x0  }
0xbb: {  	[sflag:s15] =	ssyncadd.s32 $0xFFFFE000  }
0xbc: {  	[spmem:s4] =	stream.indirect.scatter.add.f32 [tilespmem:s17], [sflag:$0x5], $0x10, s11, s19, $0xb8;
	[tilespmem:$0x1ED80] =	vst v63  }
0xbd: {  	_ =	swait.ge [sflag:s15], $0x800  }
0xbe: {  	[sflag:s15] =	ssyncset.done $0x0  }
0xbf: {  	s11 =	sadd.s32 $0x300, s9;
	[sflag:s15] =	ssyncadd.s32 $0xFFFFF800  }
0xc0: {  	[tilespmem:s25], [sflag:$0x3] =	stream.indirect.gather [hbm4b:s6+s19], $0x40, s11, s19, $0xb8;
	[tilespmem:$0x1ED80] =	vst v63  }
0xc1: {  	_ =	swait.ge [sflag:s0], $0x2000  }
0xc2: {  	[sflag:s0] =	ssyncset.done $0x0  }
0xc3: {  	s11 =	sadd.s32 $0x5180, s9;
	[sflag:s0] =	ssyncadd.s32 $0xFFFFE000  }
0xc4: {  	[spmem:s2] =	stream.indirect.scatter.add.f32 [tilespmem:s28], [sflag:$0x5], $0x40, s11, s19, $0xb8;
	[tilespmem:$0x1ED80] =	vst v63  }
0xc5: {  	_ =	swait.ge [sflag:s15], $0x2000  }
0xc6: {  	[sflag:s15] =	ssyncset.done $0x0  }
.Ltmp3:
0xc7: {  	[sflag:s15] =	ssyncadd.s32 $0xFFFFE000;
	(pc) =	sbr.rel @p1 .LBB2_6-.Ltmp3, $4  }
0xc8: {  	[spmem:s4] =	stream.indirect.scatter.add.f32 [tilespmem:s17], [sflag:$0x5], $0x10, s11, s19, $0xb8;
	[tilespmem:$0x1ED80] =	vst v63  }
0xc9: {  	_ =	swait.ge [sflag:s15], $0x800  }
0xca: {  	[sflag:s15] =	ssyncset.done $0x0  }
0xcb: {  	s9 =	sadd.s32 $0x380, s9;
	[sflag:s15] =	ssyncadd.s32 $0xFFFFF800  }
.Ltmp4:
0xcc: {  	_ = 	snop;
	(pc) =	sbr.rel .LBB2_7-.Ltmp4, $1  }
0xcd: {  	_ =	sdelay $0x3  }
.LBB2_2:
0xce: {  	[tilespmem:s20], [sflag:$0x1] =	stream.indirect.gather [hbm4b:s1+s19], $0x40, s8, s19, $0xb8;
	[tilespmem:$0x1ED80] =	vst v63  }
0xcf: {  	_ = 	snop  }
0xd0: {  	[tilespmem:s21], [sflag:$0x2] =	stream.indirect.gather [hbm4b:s1+s19], $0x40, s19, s19, $0xb8;
	[tilespmem:$0x1ED80] =	vst v63  }
0xd1: {  	s11 =	simm.s32 $0x100  }
0xd2: {  	[tilespmem:s25], [sflag:$0x3] =	stream.indirect.gather [hbm4b:s1+s19], $0x40, s11, s19, $0xb8;
	[tilespmem:$0x1ED80] =	vst v63  }
0xd3: {  	s9 =	simm.s32 $0x180  }
0xd4: {  	[tilespmem:s28], [sflag:$0x4] =	stream.indirect.gather [hbm4b:s1+s19], $0x40, s9, s19, $0xb8;
	[tilespmem:$0x1ED80] =	vst v63  }
0xd5: {  	_ =	swait.ge [sflag:s29], $0x2000  }
0xd6: {  	[sflag:s29] =	ssyncset.done $0x0  }
0xd7: {  	s11 =	simm.s32 $0x5000;
	[sflag:s29] =	ssyncadd.s32 $0xFFFFE000  }
0xd8: {  	[spmem:s2] =	stream.indirect.scatter.add.f32 [tilespmem:s20], [sflag:$0x5], $0x40, s11, s19, $0xb8;
	[tilespmem:$0x1ED80] =	vst v63  }
0xd9: {  	_ =	swait.ge [sflag:s15], $0x2000  }
0xda: {  	[sflag:s15] =	ssyncset.done $0x0  }
0xdb: {  	[sflag:s15] =	ssyncadd.s32 $0xFFFFE000  }
0xdc: {  	[spmem:s4] =	stream.indirect.scatter.add.f32 [tilespmem:s17], [sflag:$0x5], $0x10, s11, s19, $0xb8;
	[tilespmem:$0x1ED80] =	vst v63  }
0xdd: {  	_ =	swait.ge [sflag:s15], $0x800  }
0xde: {  	[sflag:s15] =	ssyncset.done $0x0  }
0xdf: {  	s9 =	simm.s32 $0x200;
	[sflag:s15] =	ssyncadd.s32 $0xFFFFF800  }
0xe0: {  	[tilespmem:s20], [sflag:$0x1] =	stream.indirect.gather [hbm4b:s1+s19], $0x40, s9, s19, $0xb8;
	[tilespmem:$0x1ED80] =	vst v63  }
0xe1: {  	_ =	swait.ge [sflag:s30], $0x2000  }
0xe2: {  	[sflag:s30] =	ssyncset.done $0x0  }
0xe3: {  	s11 =	simm.s32 $0x5080;
	[sflag:s30] =	ssyncadd.s32 $0xFFFFE000  }
0xe4: {  	[spmem:s2] =	stream.indirect.scatter.add.f32 [tilespmem:s21], [sflag:$0x5], $0x40, s11, s19, $0xb8;
	[tilespmem:$0x1ED80] =	vst v63  }
0xe5: {  	_ =	swait.ge [sflag:s15], $0x2000  }
0xe6: {  	[sflag:s15] =	ssyncset.done $0x0  }
0xe7: {  	[sflag:s15] =	ssyncadd.s32 $0xFFFFE000  }
0xe8: {  	[spmem:s4] =	stream.indirect.scatter.add.f32 [tilespmem:s17], [sflag:$0x5], $0x10, s11, s19, $0xb8;
	[tilespmem:$0x1ED80] =	vst v63  }
0xe9: {  	_ =	swait.ge [sflag:s15], $0x800  }
0xea: {  	[sflag:s15] =	ssyncset.done $0x0  }
0xeb: {  	s9 =	simm.s32 $0x280;
	[sflag:s15] =	ssyncadd.s32 $0xFFFFF800  }
0xec: {  	[tilespmem:s21], [sflag:$0x2] =	stream.indirect.gather [hbm4b:s1+s19], $0x40, s9, s19, $0xb8;
	[tilespmem:$0x1ED80] =	vst v63  }
0xed: {  	_ =	swait.ge [sflag:s31], $0x2000  }
0xee: {  	[sflag:s31] =	ssyncset.done $0x0  }
0xef: {  	s11 =	simm.s32 $0x5100;
	[sflag:s31] =	ssyncadd.s32 $0xFFFFE000  }
0xf0: {  	[spmem:s2] =	stream.indirect.scatter.add.f32 [tilespmem:s25], [sflag:$0x5], $0x40, s11, s19, $0xb8;
	[tilespmem:$0x1ED80] =	vst v63  }
0xf1: {  	_ =	swait.ge [sflag:s15], $0x2000  }
0xf2: {  	[sflag:s15] =	ssyncset.done $0x0  }
0xf3: {  	[sflag:s15] =	ssyncadd.s32 $0xFFFFE000  }
0xf4: {  	[spmem:s4] =	stream.indirect.scatter.add.f32 [tilespmem:s17], [sflag:$0x5], $0x10, s11, s19, $0xb8;
	[tilespmem:$0x1ED80] =	vst v63  }
0xf5: {  	_ =	swait.ge [sflag:s15], $0x800  }
0xf6: {  	[sflag:s15] =	ssyncset.done $0x0  }
0xf7: {  	s9 =	simm.s32 $0x300;
	[sflag:s15] =	ssyncadd.s32 $0xFFFFF800  }
0xf8: {  	[tilespmem:s25], [sflag:$0x3] =	stream.indirect.gather [hbm4b:s1+s19], $0x40, s9, s19, $0xb8;
	[tilespmem:$0x1ED80] =	vst v63  }
0xf9: {  	_ =	swait.ge [sflag:s0], $0x2000  }
0xfa: {  	[sflag:s0] =	ssyncset.done $0x0  }
0xfb: {  	s11 =	simm.s32 $0x5180;
	[sflag:s0] =	ssyncadd.s32 $0xFFFFE000  }
0xfc: {  	[spmem:s2] =	stream.indirect.scatter.add.f32 [tilespmem:s28], [sflag:$0x5], $0x40, s11, s19, $0xb8;
	[tilespmem:$0x1ED80] =	vst v63  }
0xfd: {  	_ =	swait.ge [sflag:s15], $0x2000  }
0xfe: {  	[sflag:s15] =	ssyncset.done $0x0  }
0xff: {  	[sflag:s15] =	ssyncadd.s32 $0xFFFFE000  }
0x100: {  	[spmem:s4] =	stream.indirect.scatter.add.f32 [tilespmem:s17], [sflag:$0x5], $0x10, s11, s19, $0xb8;
	[tilespmem:$0x1ED80] =	vst v63  }
0x101: {  	_ =	swait.ge [sflag:s15], $0x800  }
0x102: {  	[sflag:s15] =	ssyncset.done $0x0  }
0x103: {  	s8 =	simm.s32 $0x800;
	s9 =	simm.s32 $0x380;
	[sflag:s15] =	ssyncadd.s32 $0xFFFFF800  }
.LBB2_3:
0x104: {  	[tilespmem:s28], [sflag:$0x4] =	stream.indirect.gather [hbm4b:s1+s19], $0x40, s9, s19, $0xb8;
	[tilespmem:$0x1ED80] =	vst v63  }
0x105: {  	s9 =	smov.u32 s8  }
0x106: {  	p1 =	seq.s32 s8, $0x13000;
	s8 =	sadd.s32 $0x800, s8;
	_ =	swait.ge [sflag:s29], $0x2000  }
0x107: {  	s9 =	sshra.s32 s9, $0x2;
	[sflag:s29] =	ssyncset.done $0x0  }
0x108: {  	s11 =	sadd.s32 $0x5000, s9;
	[sflag:s29] =	ssyncadd.s32 $0xFFFFE000  }
0x109: {  	[spmem:s2] =	stream.indirect.scatter.add.f32 [tilespmem:s20], [sflag:$0x5], $0x40, s11, s19, $0xb8;
	[tilespmem:$0x1ED80] =	vst v63  }
0x10a: {  	_ =	swait.ge [sflag:s15], $0x2000  }
0x10b: {  	[sflag:s15] =	ssyncset.done $0x0  }
0x10c: {  	[sflag:s15] =	ssyncadd.s32 $0xFFFFE000  }
0x10d: {  	[spmem:s4] =	stream.indirect.scatter.add.f32 [tilespmem:s17], [sflag:$0x5], $0x10, s11, s19, $0xb8;
	[tilespmem:$0x1ED80] =	vst v63  }
0x10e: {  	_ =	swait.ge [sflag:s15], $0x800  }
0x10f: {  	[sflag:s15] =	ssyncset.done $0x0  }
0x110: {  	s11 =	sadd.s32 $0x200, s9;
	[sflag:s15] =	ssyncadd.s32 $0xFFFFF800  }
0x111: {  	[tilespmem:s20], [sflag:$0x1] =	stream.indirect.gather [hbm4b:s1+s19], $0x40, s11, s19, $0xb8;
	[tilespmem:$0x1ED80] =	vst v63  }
0x112: {  	_ =	swait.ge [sflag:s30], $0x2000  }
0x113: {  	[sflag:s30] =	ssyncset.done $0x0  }
0x114: {  	s11 =	sadd.s32 $0x5080, s9;
	[sflag:s30] =	ssyncadd.s32 $0xFFFFE000  }
0x115: {  	[spmem:s2] =	stream.indirect.scatter.add.f32 [tilespmem:s21], [sflag:$0x5], $0x40, s11, s19, $0xb8;
	[tilespmem:$0x1ED80] =	vst v63  }
0x116: {  	_ =	swait.ge [sflag:s15], $0x2000  }
0x117: {  	[sflag:s15] =	ssyncset.done $0x0  }
0x118: {  	[sflag:s15] =	ssyncadd.s32 $0xFFFFE000  }
0x119: {  	[spmem:s4] =	stream.indirect.scatter.add.f32 [tilespmem:s17], [sflag:$0x5], $0x10, s11, s19, $0xb8;
	[tilespmem:$0x1ED80] =	vst v63  }
0x11a: {  	_ =	swait.ge [sflag:s15], $0x800  }
0x11b: {  	[sflag:s15] =	ssyncset.done $0x0  }
0x11c: {  	s11 =	sadd.s32 $0x280, s9;
	[sflag:s15] =	ssyncadd.s32 $0xFFFFF800  }
0x11d: {  	[tilespmem:s21], [sflag:$0x2] =	stream.indirect.gather [hbm4b:s1+s19], $0x40, s11, s19, $0xb8;
	[tilespmem:$0x1ED80] =	vst v63  }
0x11e: {  	_ =	swait.ge [sflag:s31], $0x2000  }
0x11f: {  	[sflag:s31] =	ssyncset.done $0x0  }
0x120: {  	s11 =	sadd.s32 $0x5100, s9;
	[sflag:s31] =	ssyncadd.s32 $0xFFFFE000  }
0x121: {  	[spmem:s2] =	stream.indirect.scatter.add.f32 [tilespmem:s25], [sflag:$0x5], $0x40, s11, s19, $0xb8;
	[tilespmem:$0x1ED80] =	vst v63  }
0x122: {  	_ =	swait.ge [sflag:s15], $0x2000  }
0x123: {  	[sflag:s15] =	ssyncset.done $0x0  }
0x124: {  	[sflag:s15] =	ssyncadd.s32 $0xFFFFE000  }
0x125: {  	[spmem:s4] =	stream.indirect.scatter.add.f32 [tilespmem:s17], [sflag:$0x5], $0x10, s11, s19, $0xb8;
	[tilespmem:$0x1ED80] =	vst v63  }
0x126: {  	_ =	swait.ge [sflag:s15], $0x800  }
0x127: {  	[sflag:s15] =	ssyncset.done $0x0  }
0x128: {  	s11 =	sadd.s32 $0x300, s9;
	[sflag:s15] =	ssyncadd.s32 $0xFFFFF800  }
0x129: {  	[tilespmem:s25], [sflag:$0x3] =	stream.indirect.gather [hbm4b:s1+s19], $0x40, s11, s19, $0xb8;
	[tilespmem:$0x1ED80] =	vst v63  }
0x12a: {  	_ =	swait.ge [sflag:s0], $0x2000  }
0x12b: {  	[sflag:s0] =	ssyncset.done $0x0  }
0x12c: {  	s11 =	sadd.s32 $0x5180, s9;
	[sflag:s0] =	ssyncadd.s32 $0xFFFFE000  }
0x12d: {  	[spmem:s2] =	stream.indirect.scatter.add.f32 [tilespmem:s28], [sflag:$0x5], $0x40, s11, s19, $0xb8;
	[tilespmem:$0x1ED80] =	vst v63  }
0x12e: {  	_ =	swait.ge [sflag:s15], $0x2000  }
0x12f: {  	[sflag:s15] =	ssyncset.done $0x0  }
.Ltmp5:
0x130: {  	[sflag:s15] =	ssyncadd.s32 $0xFFFFE000;
	(pc) =	sbr.rel @!p1 .LBB2_3-.Ltmp5, $4  }
0x131: {  	[spmem:s4] =	stream.indirect.scatter.add.f32 [tilespmem:s17], [sflag:$0x5], $0x10, s11, s19, $0xb8;
	[tilespmem:$0x1ED80] =	vst v63  }
0x132: {  	_ =	swait.ge [sflag:s15], $0x800  }
0x133: {  	[sflag:s15] =	ssyncset.done $0x0  }
0x134: {  	s9 =	sadd.s32 $0x380, s9;
	[sflag:s15] =	ssyncadd.s32 $0xFFFFF800  }
.Ltmp6:
0x135: {  	(pc) =	sbr.rel .LBB2_8-.Ltmp6, $2  }
0x136: {  	_ =	sdelay $0x2  }
0x137: {  	[tilespmem:s28], [sflag:$0x4] =	stream.indirect.gather [hbm4b:s1+s19], $0x40, s9, s19, $0xb8;
	[tilespmem:$0x1ED80] =	vst v63  }
.LBB2_9:
0x138: {  	_ =	sfence.sel $0x180000  }
0x139: {  	[bflag:$0x0] =	sbarrier.arrive $0xFFFF  }
0x13a: {  	_ =	strace $0x90000047  }
0x13b: {  	s0 =	stileid.u32;
	[bflag:$0x2] =	sbarrier.arrive $0xFFFF  }
0x13c: {  	p0 =	sne.s32 s0, $0x0;
	s0 =	rddreg [dreg:$0x4]  }
0x13d: {  	s0 =	sadd.s32 @!p0 $0x100000, s0  }
0x13e: {  	[sflag:s0] =	ssyncadd.tile.s32 @!p0 $0x1;
	_ =	shalt  }
.Lfunc_end2:
_tile_overlayer_lowered:
.L_overlay_start_2:
0x13f: {  	(tag) =	ssettag $0x2  }
0x140: {  	s0 =	rddreg [dreg:$0x0];
	s2 =	stileid.u32  }
0x141: {  	s1 =	rddreg [dreg:$0x1];
	p0 =	sne.s32 s2, $0x0  }
0x142: {  	s3 =	rddreg [dreg:$0x2];
	[bflag:$0x3] =	sbarrier.arrive $0xFFFF;
	s2 =	simm.s32 @!p0 $0x1C05  }
0x143: {  	[timem:s3], [sflag:s2] =	dma.local @!p0 [hbm:s0], s1  }
0x144: {  	s0 =	simm.s32 @!p0 $0x5  }
0x145: {  	_ =	swait.ge @!p0 [sflag:s0], s1  }
0x146: {  	s1 =	ssub.s32 @!p0 $0x0, s1;
	[sflag:s0] =	ssyncset.done @!p0 $0x0  }
0x147: {  	[sflag:s0] =	ssyncadd.s32 @!p0 s1  }
0x148: {  	[bflag:$0x3] =	sbarrier.arrive $0xFFFF  }
0x149: {  	_ =	shalt  }

</sc_bundles>
